<compile_context>
chip_gen: v7x
topology: tpu7x:2x2x1
jax: 0.10.2.dev20260603
libtpu: 0.0.44.dev20260713+nightly
codegen_flags: <defaults>
</compile_context>

<pallas_src>
import functools

import jax
import jax.numpy as jnp
from jax import lax
from jax.experimental import pallas as pl
from jax.experimental.pallas import tpu as pltpu
from jax.experimental.pallas import tpu_sc as plsc

N_ATOMS = 262144
D_OUT = 366
D_EMB = 87
D_TOP = 88
T_STRIDE = 88
CA = 256
LANES = 16


@functools.lru_cache(maxsize=1)
def _build():
    info = plsc.get_sparse_core_info()
    nw = info.num_cores * info.num_subcores
    atoms_per_w = N_ATOMS // nw
    n_chunks = atoms_per_w // CA
    n_pairs = n_chunks // 2
    groups = CA // LANES
    d_bot = D_OUT - D_TOP

    mesh = plsc.VectorSubcoreMesh(core_axis_name="c", subcore_axis_name="s")

    @functools.partial(
        pl.kernel,
        mesh=mesh,
        compiler_params=pltpu.CompilerParams(needs_layout_passes=False),
        out_type=jax.ShapeDtypeStruct((D_OUT, N_ATOMS), jnp.float32),
        scratch_types=[
            pltpu.VMEM((D_EMB * T_STRIDE,), jnp.float32),
            pltpu.VMEM((CA,), jnp.int32),
            pltpu.VMEM((CA,), jnp.int32),
            pltpu.VMEM((D_TOP, CA), jnp.float32),
            pltpu.VMEM((D_TOP, CA), jnp.float32),
            pltpu.VMEM((d_bot, CA), jnp.float32),
            pltpu.SemaphoreType.DMA,
            pltpu.SemaphoreType.DMA,
            pltpu.SemaphoreType.DMA,
            pltpu.SemaphoreType.DMA,
        ],
    )
    def k(z_hbm, tableT_hbm, out_hbm, tab_v, zc0, zc1, buf0, buf1, zbuf,
          sem0, sem1, zsem0, zsem1):
        wid = lax.axis_index("s") * info.num_cores + lax.axis_index("c")
        col0 = wid * atoms_per_w

        pltpu.sync_copy(tableT_hbm, tab_v)

        zero16 = jnp.zeros((LANES,), jnp.float32)

        def zrow(d, _):
            for g in range(groups):
                zbuf[d, pl.ds(g * LANES, LANES)] = zero16
            return _

        lax.fori_loop(0, d_bot, zrow, 0, unroll=2)
        for g in range(groups):
            buf0[D_EMB, pl.ds(g * LANES, LANES)] = zero16
            buf1[D_EMB, pl.ds(g * LANES, LANES)] = zero16

        def fill(buf, zc, i):
            pltpu.sync_copy(z_hbm.at[pl.ds(col0 + i * CA, CA)], zc)
            zvs = [zc[pl.ds(g * LANES, LANES)] for g in range(groups)]

            def drow(d, _):
                base = d * T_STRIDE
                xs = [
                    plsc.load_gather(tab_v, [base + zvs[g]])
                    for g in range(groups)
                ]
                for g in range(groups):
                    buf[d, pl.ds(g * LANES, LANES)] = xs[g]
                return _

            lax.fori_loop(0, D_EMB, drow, 0, unroll=2)

        def start(buf, i, sem, zsem):
            top = pltpu.async_copy(
                buf,
                out_hbm.at[pl.ds(0, D_TOP), pl.ds(col0 + i * CA, CA)],
                sem,
            )
            bot = pltpu.async_copy(
                zbuf,
                out_hbm.at[pl.ds(D_TOP, d_bot), pl.ds(col0 + i * CA, CA)],
                zsem,
            )
            return top, bot

        def drain(buf, sem, zsem):
            pltpu.make_async_copy(
                buf, out_hbm.at[pl.ds(0, D_TOP), pl.ds(col0, CA)], sem
            ).wait()
            pltpu.make_async_copy(
                zbuf, out_hbm.at[pl.ds(D_TOP, d_bot), pl.ds(col0, CA)], zsem
            ).wait()

        def body(j, _):
            @pl.when(j > 0)
            def _w0():
                drain(buf0, sem0, zsem0)

            fill(buf0, zc0, 2 * j)
            start(buf0, 2 * j, sem0, zsem0)

            @pl.when(j > 0)
            def _w1():
                drain(buf1, sem1, zsem1)

            fill(buf1, zc1, 2 * j + 1)
            start(buf1, 2 * j + 1, sem1, zsem1)
            return _

        lax.fori_loop(0, n_pairs, body, 0)
        drain(buf0, sem0, zsem0)
        drain(buf1, sem1, zsem1)

    return k


def kernel(Z, emb_table):
    z_flat = Z.reshape(-1)
    tableT = (
        jnp.zeros((D_EMB, T_STRIDE), jnp.float32)
        .at[:, :D_EMB]
        .set(emb_table.T)
    )
    out_t = _build()(z_flat, tableT.reshape(-1))
    return out_t.T

# --- scband reference (transcript-rebuilt; emitter-appended) ---
"""Pipeline reference for scband-spher-embed-31791347925867 (READ-ONLY COPY).

The authoritative reference and input builder live on the scoring server;
editing this copy changes nothing except your own understanding.
"""

import jax, jax.numpy as jnp
import numpy as np

# O3 metadata logic from __init__: metadata=[87,87,32,32], group='o3'
# n_irreps_per_l = (arange(len//2)*2+1).repeat_interleave(2) = [1,1,3,3]
METADATA = np.array([87, 87, 32, 32], dtype=np.int64)
N_IRREPS_PER_L = np.array([1, 1, 3, 3], dtype=np.int64)
TOTAL_DIM = int((METADATA * N_IRREPS_PER_L).sum())  # 366
N_INVARIANTS = int(METADATA[0])  # 87
ZMAX = 87
N_ATOMS = 262144


def setup_inputs(seed: int = 0) -> dict:
    key = jax.random.key(seed)
    k1, k2 = jax.random.split(key)
    Z = jax.random.randint(k1, (N_ATOMS, 1), 0, ZMAX, dtype=jnp.int32)
    # torch.nn.Embedding(num_embeddings=metadata[0]=87, embedding_dim=Zmax=87), init N(0,1)
    emb_table = jax.random.normal(k2, (N_INVARIANTS, ZMAX), dtype=jnp.float32)
    return {"Z": Z, "emb_table": emb_table}


def reference(Z, emb_table):
    # x_ten = zeros(*Z.shape[:-1], sum(metadata * n_irreps_per_l))
    x_ten = jnp.zeros((Z.shape[0], TOTAL_DIM), dtype=jnp.float32)
    # x_ten[..., :n_invariants] = embedding(Z)  (Z has trailing singleton dim -> squeeze)
    emb = jnp.take(emb_table, Z[:, 0], axis=0)  # (N, 87) SparseCore gather
    x_ten = x_ten.at[:, :N_INVARIANTS].set(emb)
    # O3Tensor wrapper only carries metadata; return the data tensor
    return x_ten

if __name__ == "__main__":
    import jax
    _d = setup_inputs()
    print(jax.jit(kernel)(*tuple(_d.values())))

</pallas_src>

<mosaic_0001>
#map = affine_map<(d0, d1) -> (0)>
#map1 = affine_map<(d0, d1) -> (0, 0)>
module attributes {stable_mosaic.version = 14 : i64} {
  func.func @k(%arg0: i32, %arg1: i32, %arg2: memref<262144xi32, #tpu.memory_space<hbm>>, %arg3: memref<7656xf32, #tpu.memory_space<hbm>>, %arg4: memref<366x262144xf32, #tpu.memory_space<hbm>>, %arg5: memref<7656xf32, #tpu.memory_space<vmem>>, %arg6: memref<256xi32, #tpu.memory_space<vmem>>, %arg7: memref<256xi32, #tpu.memory_space<vmem>>, %arg8: memref<88x256xf32, #tpu.memory_space<vmem>>, %arg9: memref<88x256xf32, #tpu.memory_space<vmem>>, %arg10: memref<278x256xf32, #tpu.memory_space<vmem>>, %arg11: memref<!tpu.dma_semaphore, #tpu.memory_space<semaphore_mem>>, %arg12: memref<!tpu.dma_semaphore, #tpu.memory_space<semaphore_mem>>, %arg13: memref<!tpu.dma_semaphore, #tpu.memory_space<semaphore_mem>>, %arg14: memref<!tpu.dma_semaphore, #tpu.memory_space<semaphore_mem>>) attributes {dimension_semantics = [#tpu.dimension_semantics<core_parallel>, #tpu.dimension_semantics<subcore_parallel>], iteration_bounds = array<i64: 2, 16>, scalar_prefetch = 0 : i64, scratch_operands = 10 : i64, tpu.core_type = #tpu.core_type<sc_vector_subcore>, window_params = [{transform_indices = #map}, {transform_indices = #map}, {transform_indices = #map1}]} {
    %mul3A = arith.constant 2 : i32
    %mul3A_0 = arith.muli %arg1, %mul3A : i32
    %add3A = arith.addi %mul3A_0, %arg0 : i32
    %mul3A_1 = arith.constant 8192 : i32
    %mul3A_2 = arith.muli %add3A, %mul3A_1 : i32
    "tpu.region"() ({
      %run_scoped3A = tpu.sem_alloc : memref<!tpu.dma_semaphore, #tpu.memory_space<semaphore_mem>>
      tpu.enqueue_dma source(%arg3 : memref<7656xf32, #tpu.memory_space<hbm>>) target(%arg5 : memref<7656xf32, #tpu.memory_space<vmem>>) target_semaphore(%run_scoped3A : memref<!tpu.dma_semaphore, #tpu.memory_space<semaphore_mem>>)
      tpu.wait_dma2 semaphore(%run_scoped3A : memref<!tpu.dma_semaphore, #tpu.memory_space<semaphore_mem>>) src(%arg3 : memref<7656xf32, #tpu.memory_space<hbm>>) dst(%arg5 : memref<7656xf32, #tpu.memory_space<vmem>>)
      tpu.yield
    }) : () -> ()
    %broadcast_in_dim3A = arith.constant 0.000000e+00 : f32
    %broadcast_in_dim3A_3 = vector.broadcast %broadcast_in_dim3A : f32 to vector<16xf32>
    %scan3A = arith.constant 0 : i32
    %scan3A_4 = arith.constant 0 : i32
    %scan3A_5 = arith.constant 278 : i32
    %scan3A_6 = arith.addi %scan3A_4, %scan3A_5 : i32
    %scan3A_7 = arith.constant 2 : i32
    scf.for %scan3A_157 = %scan3A_4 to %scan3A_6 step %scan3A_7  : i32 {
      %swap3A_158 = arith.index_cast %scan3A_157 : i32 to index
      %swap3A_159 = arith.constant 0 : index
      %swap3A_160 = tpu.vector_load %arg10[%swap3A_158, %swap3A_159] {strides = array<i32>} : memref<278x256xf32, #tpu.memory_space<vmem>>, vector<16xf32>,
      tpu.vector_store %arg10[%swap3A_158, %swap3A_159], %broadcast_in_dim3A_3 {strides = array<i32>} : memref<278x256xf32, #tpu.memory_space<vmem>>, vector<16xf32>,
      %swap3A_161 = arith.index_cast %scan3A_157 : i32 to index
      %swap3A_162 = arith.constant 16 : index
      %swap3A_163 = tpu.vector_load %arg10[%swap3A_161, %swap3A_162] {strides = array<i32>} : memref<278x256xf32, #tpu.memory_space<vmem>>, vector<16xf32>,
      tpu.vector_store %arg10[%swap3A_161, %swap3A_162], %broadcast_in_dim3A_3 {strides = array<i32>} : memref<278x256xf32, #tpu.memory_space<vmem>>, vector<16xf32>,
      %swap3A_164 = arith.index_cast %scan3A_157 : i32 to index
      %swap3A_165 = arith.constant 32 : index
      %swap3A_166 = tpu.vector_load %arg10[%swap3A_164, %swap3A_165] {strides = array<i32>} : memref<278x256xf32, #tpu.memory_space<vmem>>, vector<16xf32>,
      tpu.vector_store %arg10[%swap3A_164, %swap3A_165], %broadcast_in_dim3A_3 {strides = array<i32>} : memref<278x256xf32, #tpu.memory_space<vmem>>, vector<16xf32>,
      %swap3A_167 = arith.index_cast %scan3A_157 : i32 to index
      %swap3A_168 = arith.constant 48 : index
      %swap3A_169 = tpu.vector_load %arg10[%swap3A_167, %swap3A_168] {strides = array<i32>} : memref<278x256xf32, #tpu.memory_space<vmem>>, vector<16xf32>,
      tpu.vector_store %arg10[%swap3A_167, %swap3A_168], %broadcast_in_dim3A_3 {strides = array<i32>} : memref<278x256xf32, #tpu.memory_space<vmem>>, vector<16xf32>,
      %swap3A_170 = arith.index_cast %scan3A_157 : i32 to index
      %swap3A_171 = arith.constant 64 : index
      %swap3A_172 = tpu.vector_load %arg10[%swap3A_170, %swap3A_171] {strides = array<i32>} : memref<278x256xf32, #tpu.memory_space<vmem>>, vector<16xf32>,
      tpu.vector_store %arg10[%swap3A_170, %swap3A_171], %broadcast_in_dim3A_3 {strides = array<i32>} : memref<278x256xf32, #tpu.memory_space<vmem>>, vector<16xf32>,
      %swap3A_173 = arith.index_cast %scan3A_157 : i32 to index
      %swap3A_174 = arith.constant 80 : index
      %swap3A_175 = tpu.vector_load %arg10[%swap3A_173, %swap3A_174] {strides = array<i32>} : memref<278x256xf32, #tpu.memory_space<vmem>>, vector<16xf32>,
      tpu.vector_store %arg10[%swap3A_173, %swap3A_174], %broadcast_in_dim3A_3 {strides = array<i32>} : memref<278x256xf32, #tpu.memory_space<vmem>>, vector<16xf32>,
      %swap3A_176 = arith.index_cast %scan3A_157 : i32 to index
      %swap3A_177 = arith.constant 96 : index
      %swap3A_178 = tpu.vector_load %arg10[%swap3A_176, %swap3A_177] {strides = array<i32>} : memref<278x256xf32, #tpu.memory_space<vmem>>, vector<16xf32>,
      tpu.vector_store %arg10[%swap3A_176, %swap3A_177], %broadcast_in_dim3A_3 {strides = array<i32>} : memref<278x256xf32, #tpu.memory_space<vmem>>, vector<16xf32>,
      %swap3A_179 = arith.index_cast %scan3A_157 : i32 to index
      %swap3A_180 = arith.constant 112 : index
      %swap3A_181 = tpu.vector_load %arg10[%swap3A_179, %swap3A_180] {strides = array<i32>} : memref<278x256xf32, #tpu.memory_space<vmem>>, vector<16xf32>,
      tpu.vector_store %arg10[%swap3A_179, %swap3A_180], %broadcast_in_dim3A_3 {strides = array<i32>} : memref<278x256xf32, #tpu.memory_space<vmem>>, vector<16xf32>,
      %swap3A_182 = arith.index_cast %scan3A_157 : i32 to index
      %swap3A_183 = arith.constant 128 : index
      %swap3A_184 = tpu.vector_load %arg10[%swap3A_182, %swap3A_183] {strides = array<i32>} : memref<278x256xf32, #tpu.memory_space<vmem>>, vector<16xf32>,
      tpu.vector_store %arg10[%swap3A_182, %swap3A_183], %broadcast_in_dim3A_3 {strides = array<i32>} : memref<278x256xf32, #tpu.memory_space<vmem>>, vector<16xf32>,
      %swap3A_185 = arith.index_cast %scan3A_157 : i32 to index
      %swap3A_186 = arith.constant 144 : index
      %swap3A_187 = tpu.vector_load %arg10[%swap3A_185, %swap3A_186] {strides = array<i32>} : memref<278x256xf32, #tpu.memory_space<vmem>>, vector<16xf32>,
      tpu.vector_store %arg10[%swap3A_185, %swap3A_186], %broadcast_in_dim3A_3 {strides = array<i32>} : memref<278x256xf32, #tpu.memory_space<vmem>>, vector<16xf32>,
      %swap3A_188 = arith.index_cast %scan3A_157 : i32 to index
      %swap3A_189 = arith.constant 160 : index
      %swap3A_190 = tpu.vector_load %arg10[%swap3A_188, %swap3A_189] {strides = array<i32>} : memref<278x256xf32, #tpu.memory_space<vmem>>, vector<16xf32>,
      tpu.vector_store %arg10[%swap3A_188, %swap3A_189], %broadcast_in_dim3A_3 {strides = array<i32>} : memref<278x256xf32, #tpu.memory_space<vmem>>, vector<16xf32>,
      %swap3A_191 = arith.index_cast %scan3A_157 : i32 to index
      %swap3A_192 = arith.constant 176 : index
      %swap3A_193 = tpu.vector_load %arg10[%swap3A_191, %swap3A_192] {strides = array<i32>} : memref<278x256xf32, #tpu.memory_space<vmem>>, vector<16xf32>,
      tpu.vector_store %arg10[%swap3A_191, %swap3A_192], %broadcast_in_dim3A_3 {strides = array<i32>} : memref<278x256xf32, #tpu.memory_space<vmem>>, vector<16xf32>,
      %swap3A_194 = arith.index_cast %scan3A_157 : i32 to index
      %swap3A_195 = arith.constant 192 : index
      %swap3A_196 = tpu.vector_load %arg10[%swap3A_194, %swap3A_195] {strides = array<i32>} : memref<278x256xf32, #tpu.memory_space<vmem>>, vector<16xf32>,
      tpu.vector_store %arg10[%swap3A_194, %swap3A_195], %broadcast_in_dim3A_3 {strides = array<i32>} : memref<278x256xf32, #tpu.memory_space<vmem>>, vector<16xf32>,
      %swap3A_197 = arith.index_cast %scan3A_157 : i32 to index
      %swap3A_198 = arith.constant 208 : index
      %swap3A_199 = tpu.vector_load %arg10[%swap3A_197, %swap3A_198] {strides = array<i32>} : memref<278x256xf32, #tpu.memory_space<vmem>>, vector<16xf32>,
      tpu.vector_store %arg10[%swap3A_197, %swap3A_198], %broadcast_in_dim3A_3 {strides = array<i32>} : memref<278x256xf32, #tpu.memory_space<vmem>>, vector<16xf32>,
      %swap3A_200 = arith.index_cast %scan3A_157 : i32 to index
      %swap3A_201 = arith.constant 224 : index
      %swap3A_202 = tpu.vector_load %arg10[%swap3A_200, %swap3A_201] {strides = array<i32>} : memref<278x256xf32, #tpu.memory_space<vmem>>, vector<16xf32>,
      tpu.vector_store %arg10[%swap3A_200, %swap3A_201], %broadcast_in_dim3A_3 {strides = array<i32>} : memref<278x256xf32, #tpu.memory_space<vmem>>, vector<16xf32>,
      %swap3A_203 = arith.index_cast %scan3A_157 : i32 to index
      %swap3A_204 = arith.constant 240 : index
      %swap3A_205 = tpu.vector_load %arg10[%swap3A_203, %swap3A_204] {strides = array<i32>} : memref<278x256xf32, #tpu.memory_space<vmem>>, vector<16xf32>,
      tpu.vector_store %arg10[%swap3A_203, %swap3A_204], %broadcast_in_dim3A_3 {strides = array<i32>} : memref<278x256xf32, #tpu.memory_space<vmem>>, vector<16xf32>,
      %scan3A_206 = arith.constant 1 : i32
      %scan3A_207 = arith.addi %scan3A_157, %scan3A_206 : i32
      %swap3A_208 = arith.index_cast %scan3A_207 : i32 to index
      %swap3A_209 = arith.constant 0 : index
      %swap3A_210 = tpu.vector_load %arg10[%swap3A_208, %swap3A_209] {strides = array<i32>} : memref<278x256xf32, #tpu.memory_space<vmem>>, vector<16xf32>,
      tpu.vector_store %arg10[%swap3A_208, %swap3A_209], %broadcast_in_dim3A_3 {strides = array<i32>} : memref<278x256xf32, #tpu.memory_space<vmem>>, vector<16xf32>,
      %swap3A_211 = arith.index_cast %scan3A_207 : i32 to index
      %swap3A_212 = arith.constant 16 : index
      %swap3A_213 = tpu.vector_load %arg10[%swap3A_211, %swap3A_212] {strides = array<i32>} : memref<278x256xf32, #tpu.memory_space<vmem>>, vector<16xf32>,
      tpu.vector_store %arg10[%swap3A_211, %swap3A_212], %broadcast_in_dim3A_3 {strides = array<i32>} : memref<278x256xf32, #tpu.memory_space<vmem>>, vector<16xf32>,
      %swap3A_214 = arith.index_cast %scan3A_207 : i32 to index
      %swap3A_215 = arith.constant 32 : index
      %swap3A_216 = tpu.vector_load %arg10[%swap3A_214, %swap3A_215] {strides = array<i32>} : memref<278x256xf32, #tpu.memory_space<vmem>>, vector<16xf32>,
      tpu.vector_store %arg10[%swap3A_214, %swap3A_215], %broadcast_in_dim3A_3 {strides = array<i32>} : memref<278x256xf32, #tpu.memory_space<vmem>>, vector<16xf32>,
      %swap3A_217 = arith.index_cast %scan3A_207 : i32 to index
      %swap3A_218 = arith.constant 48 : index
      %swap3A_219 = tpu.vector_load %arg10[%swap3A_217, %swap3A_218] {strides = array<i32>} : memref<278x256xf32, #tpu.memory_space<vmem>>, vector<16xf32>,
      tpu.vector_store %arg10[%swap3A_217, %swap3A_218], %broadcast_in_dim3A_3 {strides = array<i32>} : memref<278x256xf32, #tpu.memory_space<vmem>>, vector<16xf32>,
      %swap3A_220 = arith.index_cast %scan3A_207 : i32 to index
      %swap3A_221 = arith.constant 64 : index
      %swap3A_222 = tpu.vector_load %arg10[%swap3A_220, %swap3A_221] {strides = array<i32>} : memref<278x256xf32, #tpu.memory_space<vmem>>, vector<16xf32>,
      tpu.vector_store %arg10[%swap3A_220, %swap3A_221], %broadcast_in_dim3A_3 {strides = array<i32>} : memref<278x256xf32, #tpu.memory_space<vmem>>, vector<16xf32>,
      %swap3A_223 = arith.index_cast %scan3A_207 : i32 to index
      %swap3A_224 = arith.constant 80 : index
      %swap3A_225 = tpu.vector_load %arg10[%swap3A_223, %swap3A_224] {strides = array<i32>} : memref<278x256xf32, #tpu.memory_space<vmem>>, vector<16xf32>,
      tpu.vector_store %arg10[%swap3A_223, %swap3A_224], %broadcast_in_dim3A_3 {strides = array<i32>} : memref<278x256xf32, #tpu.memory_space<vmem>>, vector<16xf32>,
      %swap3A_226 = arith.index_cast %scan3A_207 : i32 to index
      %swap3A_227 = arith.constant 96 : index
      %swap3A_228 = tpu.vector_load %arg10[%swap3A_226, %swap3A_227] {strides = array<i32>} : memref<278x256xf32, #tpu.memory_space<vmem>>, vector<16xf32>,
      tpu.vector_store %arg10[%swap3A_226, %swap3A_227], %broadcast_in_dim3A_3 {strides = array<i32>} : memref<278x256xf32, #tpu.memory_space<vmem>>, vector<16xf32>,
      %swap3A_229 = arith.index_cast %scan3A_207 : i32 to index
      %swap3A_230 = arith.constant 112 : index
      %swap3A_231 = tpu.vector_load %arg10[%swap3A_229, %swap3A_230] {strides = array<i32>} : memref<278x256xf32, #tpu.memory_space<vmem>>, vector<16xf32>,
      tpu.vector_store %arg10[%swap3A_229, %swap3A_230], %broadcast_in_dim3A_3 {strides = array<i32>} : memref<278x256xf32, #tpu.memory_space<vmem>>, vector<16xf32>,
      %swap3A_232 = arith.index_cast %scan3A_207 : i32 to index
      %swap3A_233 = arith.constant 128 : index
      %swap3A_234 = tpu.vector_load %arg10[%swap3A_232, %swap3A_233] {strides = array<i32>} : memref<278x256xf32, #tpu.memory_space<vmem>>, vector<16xf32>,
      tpu.vector_store %arg10[%swap3A_232, %swap3A_233], %broadcast_in_dim3A_3 {strides = array<i32>} : memref<278x256xf32, #tpu.memory_space<vmem>>, vector<16xf32>,
      %swap3A_235 = arith.index_cast %scan3A_207 : i32 to index
      %swap3A_236 = arith.constant 144 : index
      %swap3A_237 = tpu.vector_load %arg10[%swap3A_235, %swap3A_236] {strides = array<i32>} : memref<278x256xf32, #tpu.memory_space<vmem>>, vector<16xf32>,
      tpu.vector_store %arg10[%swap3A_235, %swap3A_236], %broadcast_in_dim3A_3 {strides = array<i32>} : memref<278x256xf32, #tpu.memory_space<vmem>>, vector<16xf32>,
      %swap3A_238 = arith.index_cast %scan3A_207 : i32 to index
      %swap3A_239 = arith.constant 160 : index
      %swap3A_240 = tpu.vector_load %arg10[%swap3A_238, %swap3A_239] {strides = array<i32>} : memref<278x256xf32, #tpu.memory_space<vmem>>, vector<16xf32>,
      tpu.vector_store %arg10[%swap3A_238, %swap3A_239], %broadcast_in_dim3A_3 {strides = array<i32>} : memref<278x256xf32, #tpu.memory_space<vmem>>, vector<16xf32>,
      %swap3A_241 = arith.index_cast %scan3A_207 : i32 to index
      %swap3A_242 = arith.constant 176 : index
      %swap3A_243 = tpu.vector_load %arg10[%swap3A_241, %swap3A_242] {strides = array<i32>} : memref<278x256xf32, #tpu.memory_space<vmem>>, vector<16xf32>,
      tpu.vector_store %arg10[%swap3A_241, %swap3A_242], %broadcast_in_dim3A_3 {strides = array<i32>} : memref<278x256xf32, #tpu.memory_space<vmem>>, vector<16xf32>,
      %swap3A_244 = arith.index_cast %scan3A_207 : i32 to index
      %swap3A_245 = arith.constant 192 : index
      %swap3A_246 = tpu.vector_load %arg10[%swap3A_244, %swap3A_245] {strides = array<i32>} : memref<278x256xf32, #tpu.memory_space<vmem>>, vector<16xf32>,
      tpu.vector_store %arg10[%swap3A_244, %swap3A_245], %broadcast_in_dim3A_3 {strides = array<i32>} : memref<278x256xf32, #tpu.memory_space<vmem>>, vector<16xf32>,
      %swap3A_247 = arith.index_cast %scan3A_207 : i32 to index
      %swap3A_248 = arith.constant 208 : index
      %swap3A_249 = tpu.vector_load %arg10[%swap3A_247, %swap3A_248] {strides = array<i32>} : memref<278x256xf32, #tpu.memory_space<vmem>>, vector<16xf32>,
      tpu.vector_store %arg10[%swap3A_247, %swap3A_248], %broadcast_in_dim3A_3 {strides = array<i32>} : memref<278x256xf32, #tpu.memory_space<vmem>>, vector<16xf32>,
      %swap3A_250 = arith.index_cast %scan3A_207 : i32 to index
      %swap3A_251 = arith.constant 224 : index
      %swap3A_252 = tpu.vector_load %arg10[%swap3A_250, %swap3A_251] {strides = array<i32>} : memref<278x256xf32, #tpu.memory_space<vmem>>, vector<16xf32>,
      tpu.vector_store %arg10[%swap3A_250, %swap3A_251], %broadcast_in_dim3A_3 {strides = array<i32>} : memref<278x256xf32, #tpu.memory_space<vmem>>, vector<16xf32>,
      %swap3A_253 = arith.index_cast %scan3A_207 : i32 to index
      %swap3A_254 = arith.constant 240 : index
      %swap3A_255 = tpu.vector_load %arg10[%swap3A_253, %swap3A_254] {strides = array<i32>} : memref<278x256xf32, #tpu.memory_space<vmem>>, vector<16xf32>,
      tpu.vector_store %arg10[%swap3A_253, %swap3A_254], %broadcast_in_dim3A_3 {strides = array<i32>} : memref<278x256xf32, #tpu.memory_space<vmem>>, vector<16xf32>,
    }
    %scan3A_8 = arith.constant 278 : i32
    %swap3A = arith.constant 87 : i32
    %swap3A_9 = arith.index_cast %swap3A : i32 to index
    %swap3A_10 = arith.constant 0 : index
    %swap3A_11 = tpu.vector_load %arg8[%swap3A_9, %swap3A_10] {strides = array<i32>} : memref<88x256xf32, #tpu.memory_space<vmem>>, vector<16xf32>,
    tpu.vector_store %arg8[%swap3A_9, %swap3A_10], %broadcast_in_dim3A_3 {strides = array<i32>} : memref<88x256xf32, #tpu.memory_space<vmem>>, vector<16xf32>,
    %swap3A_12 = arith.constant 87 : i32
    %swap3A_13 = arith.index_cast %swap3A_12 : i32 to index
    %swap3A_14 = arith.constant 0 : index
    %swap3A_15 = tpu.vector_load %arg9[%swap3A_13, %swap3A_14] {strides = array<i32>} : memref<88x256xf32, #tpu.memory_space<vmem>>, vector<16xf32>,
    tpu.vector_store %arg9[%swap3A_13, %swap3A_14], %broadcast_in_dim3A_3 {strides = array<i32>} : memref<88x256xf32, #tpu.memory_space<vmem>>, vector<16xf32>,
    %swap3A_16 = arith.constant 87 : i32
    %swap3A_17 = arith.index_cast %swap3A_16 : i32 to index
    %swap3A_18 = arith.constant 16 : index
    %swap3A_19 = tpu.vector_load %arg8[%swap3A_17, %swap3A_18] {strides = array<i32>} : memref<88x256xf32, #tpu.memory_space<vmem>>, vector<16xf32>,
    tpu.vector_store %arg8[%swap3A_17, %swap3A_18], %broadcast_in_dim3A_3 {strides = array<i32>} : memref<88x256xf32, #tpu.memory_space<vmem>>, vector<16xf32>,
    %swap3A_20 = arith.constant 87 : i32
    %swap3A_21 = arith.index_cast %swap3A_20 : i32 to index
    %swap3A_22 = arith.constant 16 : index
    %swap3A_23 = tpu.vector_load %arg9[%swap3A_21, %swap3A_22] {strides = array<i32>} : memref<88x256xf32, #tpu.memory_space<vmem>>, vector<16xf32>,
    tpu.vector_store %arg9[%swap3A_21, %swap3A_22], %broadcast_in_dim3A_3 {strides = array<i32>} : memref<88x256xf32, #tpu.memory_space<vmem>>, vector<16xf32>,
    %swap3A_24 = arith.constant 87 : i32
    %swap3A_25 = arith.index_cast %swap3A_24 : i32 to index
    %swap3A_26 = arith.constant 32 : index
    %swap3A_27 = tpu.vector_load %arg8[%swap3A_25, %swap3A_26] {strides = array<i32>} : memref<88x256xf32, #tpu.memory_space<vmem>>, vector<16xf32>,
    tpu.vector_store %arg8[%swap3A_25, %swap3A_26], %broadcast_in_dim3A_3 {strides = array<i32>} : memref<88x256xf32, #tpu.memory_space<vmem>>, vector<16xf32>,
    %swap3A_28 = arith.constant 87 : i32
    %swap3A_29 = arith.index_cast %swap3A_28 : i32 to index
    %swap3A_30 = arith.constant 32 : index
    %swap3A_31 = tpu.vector_load %arg9[%swap3A_29, %swap3A_30] {strides = array<i32>} : memref<88x256xf32, #tpu.memory_space<vmem>>, vector<16xf32>,
    tpu.vector_store %arg9[%swap3A_29, %swap3A_30], %broadcast_in_dim3A_3 {strides = array<i32>} : memref<88x256xf32, #tpu.memory_space<vmem>>, vector<16xf32>,
    %swap3A_32 = arith.constant 87 : i32
    %swap3A_33 = arith.index_cast %swap3A_32 : i32 to index
    %swap3A_34 = arith.constant 48 : index
    %swap3A_35 = tpu.vector_load %arg8[%swap3A_33, %swap3A_34] {strides = array<i32>} : memref<88x256xf32, #tpu.memory_space<vmem>>, vector<16xf32>,
    tpu.vector_store %arg8[%swap3A_33, %swap3A_34], %broadcast_in_dim3A_3 {strides = array<i32>} : memref<88x256xf32, #tpu.memory_space<vmem>>, vector<16xf32>,
    %swap3A_36 = arith.constant 87 : i32
    %swap3A_37 = arith.index_cast %swap3A_36 : i32 to index
    %swap3A_38 = arith.constant 48 : index
    %swap3A_39 = tpu.vector_load %arg9[%swap3A_37, %swap3A_38] {strides = array<i32>} : memref<88x256xf32, #tpu.memory_space<vmem>>, vector<16xf32>,
    tpu.vector_store %arg9[%swap3A_37, %swap3A_38], %broadcast_in_dim3A_3 {strides = array<i32>} : memref<88x256xf32, #tpu.memory_space<vmem>>, vector<16xf32>,
    %swap3A_40 = arith.constant 87 : i32
    %swap3A_41 = arith.index_cast %swap3A_40 : i32 to index
    %swap3A_42 = arith.constant 64 : index
    %swap3A_43 = tpu.vector_load %arg8[%swap3A_41, %swap3A_42] {strides = array<i32>} : memref<88x256xf32, #tpu.memory_space<vmem>>, vector<16xf32>,
    tpu.vector_store %arg8[%swap3A_41, %swap3A_42], %broadcast_in_dim3A_3 {strides = array<i32>} : memref<88x256xf32, #tpu.memory_space<vmem>>, vector<16xf32>,
    %swap3A_44 = arith.constant 87 : i32
    %swap3A_45 = arith.index_cast %swap3A_44 : i32 to index
    %swap3A_46 = arith.constant 64 : index
    %swap3A_47 = tpu.vector_load %arg9[%swap3A_45, %swap3A_46] {strides = array<i32>} : memref<88x256xf32, #tpu.memory_space<vmem>>, vector<16xf32>,
    tpu.vector_store %arg9[%swap3A_45, %swap3A_46], %broadcast_in_dim3A_3 {strides = array<i32>} : memref<88x256xf32, #tpu.memory_space<vmem>>, vector<16xf32>,
    %swap3A_48 = arith.constant 87 : i32
    %swap3A_49 = arith.index_cast %swap3A_48 : i32 to index
    %swap3A_50 = arith.constant 80 : index
    %swap3A_51 = tpu.vector_load %arg8[%swap3A_49, %swap3A_50] {strides = array<i32>} : memref<88x256xf32, #tpu.memory_space<vmem>>, vector<16xf32>,
    tpu.vector_store %arg8[%swap3A_49, %swap3A_50], %broadcast_in_dim3A_3 {strides = array<i32>} : memref<88x256xf32, #tpu.memory_space<vmem>>, vector<16xf32>,
    %swap3A_52 = arith.constant 87 : i32
    %swap3A_53 = arith.index_cast %swap3A_52 : i32 to index
    %swap3A_54 = arith.constant 80 : index
    %swap3A_55 = tpu.vector_load %arg9[%swap3A_53, %swap3A_54] {strides = array<i32>} : memref<88x256xf32, #tpu.memory_space<vmem>>, vector<16xf32>,
    tpu.vector_store %arg9[%swap3A_53, %swap3A_54], %broadcast_in_dim3A_3 {strides = array<i32>} : memref<88x256xf32, #tpu.memory_space<vmem>>, vector<16xf32>,
    %swap3A_56 = arith.constant 87 : i32
    %swap3A_57 = arith.index_cast %swap3A_56 : i32 to index
    %swap3A_58 = arith.constant 96 : index
    %swap3A_59 = tpu.vector_load %arg8[%swap3A_57, %swap3A_58] {strides = array<i32>} : memref<88x256xf32, #tpu.memory_space<vmem>>, vector<16xf32>,
    tpu.vector_store %arg8[%swap3A_57, %swap3A_58], %broadcast_in_dim3A_3 {strides = array<i32>} : memref<88x256xf32, #tpu.memory_space<vmem>>, vector<16xf32>,
    %swap3A_60 = arith.constant 87 : i32
    %swap3A_61 = arith.index_cast %swap3A_60 : i32 to index
    %swap3A_62 = arith.constant 96 : index
    %swap3A_63 = tpu.vector_load %arg9[%swap3A_61, %swap3A_62] {strides = array<i32>} : memref<88x256xf32, #tpu.memory_space<vmem>>, vector<16xf32>,
    tpu.vector_store %arg9[%swap3A_61, %swap3A_62], %broadcast_in_dim3A_3 {strides = array<i32>} : memref<88x256xf32, #tpu.memory_space<vmem>>, vector<16xf32>,
    %swap3A_64 = arith.constant 87 : i32
    %swap3A_65 = arith.index_cast %swap3A_64 : i32 to index
    %swap3A_66 = arith.constant 112 : index
    %swap3A_67 = tpu.vector_load %arg8[%swap3A_65, %swap3A_66] {strides = array<i32>} : memref<88x256xf32, #tpu.memory_space<vmem>>, vector<16xf32>,
    tpu.vector_store %arg8[%swap3A_65, %swap3A_66], %broadcast_in_dim3A_3 {strides = array<i32>} : memref<88x256xf32, #tpu.memory_space<vmem>>, vector<16xf32>,
    %swap3A_68 = arith.constant 87 : i32
    %swap3A_69 = arith.index_cast %swap3A_68 : i32 to index
    %swap3A_70 = arith.constant 112 : index
    %swap3A_71 = tpu.vector_load %arg9[%swap3A_69, %swap3A_70] {strides = array<i32>} : memref<88x256xf32, #tpu.memory_space<vmem>>, vector<16xf32>,
    tpu.vector_store %arg9[%swap3A_69, %swap3A_70], %broadcast_in_dim3A_3 {strides = array<i32>} : memref<88x256xf32, #tpu.memory_space<vmem>>, vector<16xf32>,
    %swap3A_72 = arith.constant 87 : i32
    %swap3A_73 = arith.index_cast %swap3A_72 : i32 to index
    %swap3A_74 = arith.constant 128 : index
    %swap3A_75 = tpu.vector_load %arg8[%swap3A_73, %swap3A_74] {strides = array<i32>} : memref<88x256xf32, #tpu.memory_space<vmem>>, vector<16xf32>,
    tpu.vector_store %arg8[%swap3A_73, %swap3A_74], %broadcast_in_dim3A_3 {strides = array<i32>} : memref<88x256xf32, #tpu.memory_space<vmem>>, vector<16xf32>,
    %swap3A_76 = arith.constant 87 : i32
    %swap3A_77 = arith.index_cast %swap3A_76 : i32 to index
    %swap3A_78 = arith.constant 128 : index
    %swap3A_79 = tpu.vector_load %arg9[%swap3A_77, %swap3A_78] {strides = array<i32>} : memref<88x256xf32, #tpu.memory_space<vmem>>, vector<16xf32>,
    tpu.vector_store %arg9[%swap3A_77, %swap3A_78], %broadcast_in_dim3A_3 {strides = array<i32>} : memref<88x256xf32, #tpu.memory_space<vmem>>, vector<16xf32>,
    %swap3A_80 = arith.constant 87 : i32
    %swap3A_81 = arith.index_cast %swap3A_80 : i32 to index
    %swap3A_82 = arith.constant 144 : index
    %swap3A_83 = tpu.vector_load %arg8[%swap3A_81, %swap3A_82] {strides = array<i32>} : memref<88x256xf32, #tpu.memory_space<vmem>>, vector<16xf32>,
    tpu.vector_store %arg8[%swap3A_81, %swap3A_82], %broadcast_in_dim3A_3 {strides = array<i32>} : memref<88x256xf32, #tpu.memory_space<vmem>>, vector<16xf32>,
    %swap3A_84 = arith.constant 87 : i32
    %swap3A_85 = arith.index_cast %swap3A_84 : i32 to index
    %swap3A_86 = arith.constant 144 : index
    %swap3A_87 = tpu.vector_load %arg9[%swap3A_85, %swap3A_86] {strides = array<i32>} : memref<88x256xf32, #tpu.memory_space<vmem>>, vector<16xf32>,
    tpu.vector_store %arg9[%swap3A_85, %swap3A_86], %broadcast_in_dim3A_3 {strides = array<i32>} : memref<88x256xf32, #tpu.memory_space<vmem>>, vector<16xf32>,
    %swap3A_88 = arith.constant 87 : i32
    %swap3A_89 = arith.index_cast %swap3A_88 : i32 to index
    %swap3A_90 = arith.constant 160 : index
    %swap3A_91 = tpu.vector_load %arg8[%swap3A_89, %swap3A_90] {strides = array<i32>} : memref<88x256xf32, #tpu.memory_space<vmem>>, vector<16xf32>,
    tpu.vector_store %arg8[%swap3A_89, %swap3A_90], %broadcast_in_dim3A_3 {strides = array<i32>} : memref<88x256xf32, #tpu.memory_space<vmem>>, vector<16xf32>,
    %swap3A_92 = arith.constant 87 : i32
    %swap3A_93 = arith.index_cast %swap3A_92 : i32 to index
    %swap3A_94 = arith.constant 160 : index
    %swap3A_95 = tpu.vector_load %arg9[%swap3A_93, %swap3A_94] {strides = array<i32>} : memref<88x256xf32, #tpu.memory_space<vmem>>, vector<16xf32>,
    tpu.vector_store %arg9[%swap3A_93, %swap3A_94], %broadcast_in_dim3A_3 {strides = array<i32>} : memref<88x256xf32, #tpu.memory_space<vmem>>, vector<16xf32>,
    %swap3A_96 = arith.constant 87 : i32
    %swap3A_97 = arith.index_cast %swap3A_96 : i32 to index
    %swap3A_98 = arith.constant 176 : index
    %swap3A_99 = tpu.vector_load %arg8[%swap3A_97, %swap3A_98] {strides = array<i32>} : memref<88x256xf32, #tpu.memory_space<vmem>>, vector<16xf32>,
    tpu.vector_store %arg8[%swap3A_97, %swap3A_98], %broadcast_in_dim3A_3 {strides = array<i32>} : memref<88x256xf32, #tpu.memory_space<vmem>>, vector<16xf32>,
    %swap3A_100 = arith.constant 87 : i32
    %swap3A_101 = arith.index_cast %swap3A_100 : i32 to index
    %swap3A_102 = arith.constant 176 : index
    %swap3A_103 = tpu.vector_load %arg9[%swap3A_101, %swap3A_102] {strides = array<i32>} : memref<88x256xf32, #tpu.memory_space<vmem>>, vector<16xf32>,
    tpu.vector_store %arg9[%swap3A_101, %swap3A_102], %broadcast_in_dim3A_3 {strides = array<i32>} : memref<88x256xf32, #tpu.memory_space<vmem>>, vector<16xf32>,
    %swap3A_104 = arith.constant 87 : i32
    %swap3A_105 = arith.index_cast %swap3A_104 : i32 to index
    %swap3A_106 = arith.constant 192 : index
    %swap3A_107 = tpu.vector_load %arg8[%swap3A_105, %swap3A_106] {strides = array<i32>} : memref<88x256xf32, #tpu.memory_space<vmem>>, vector<16xf32>,
    tpu.vector_store %arg8[%swap3A_105, %swap3A_106], %broadcast_in_dim3A_3 {strides = array<i32>} : memref<88x256xf32, #tpu.memory_space<vmem>>, vector<16xf32>,
    %swap3A_108 = arith.constant 87 : i32
    %swap3A_109 = arith.index_cast %swap3A_108 : i32 to index
    %swap3A_110 = arith.constant 192 : index
    %swap3A_111 = tpu.vector_load %arg9[%swap3A_109, %swap3A_110] {strides = array<i32>} : memref<88x256xf32, #tpu.memory_space<vmem>>, vector<16xf32>,
    tpu.vector_store %arg9[%swap3A_109, %swap3A_110], %broadcast_in_dim3A_3 {strides = array<i32>} : memref<88x256xf32, #tpu.memory_space<vmem>>, vector<16xf32>,
    %swap3A_112 = arith.constant 87 : i32
    %swap3A_113 = arith.index_cast %swap3A_112 : i32 to index
    %swap3A_114 = arith.constant 208 : index
    %swap3A_115 = tpu.vector_load %arg8[%swap3A_113, %swap3A_114] {strides = array<i32>} : memref<88x256xf32, #tpu.memory_space<vmem>>, vector<16xf32>,
    tpu.vector_store %arg8[%swap3A_113, %swap3A_114], %broadcast_in_dim3A_3 {strides = array<i32>} : memref<88x256xf32, #tpu.memory_space<vmem>>, vector<16xf32>,
    %swap3A_116 = arith.constant 87 : i32
    %swap3A_117 = arith.index_cast %swap3A_116 : i32 to index
    %swap3A_118 = arith.constant 208 : index
    %swap3A_119 = tpu.vector_load %arg9[%swap3A_117, %swap3A_118] {strides = array<i32>} : memref<88x256xf32, #tpu.memory_space<vmem>>, vector<16xf32>,
    tpu.vector_store %arg9[%swap3A_117, %swap3A_118], %broadcast_in_dim3A_3 {strides = array<i32>} : memref<88x256xf32, #tpu.memory_space<vmem>>, vector<16xf32>,
    %swap3A_120 = arith.constant 87 : i32
    %swap3A_121 = arith.index_cast %swap3A_120 : i32 to index
    %swap3A_122 = arith.constant 224 : index
    %swap3A_123 = tpu.vector_load %arg8[%swap3A_121, %swap3A_122] {strides = array<i32>} : memref<88x256xf32, #tpu.memory_space<vmem>>, vector<16xf32>,
    tpu.vector_store %arg8[%swap3A_121, %swap3A_122], %broadcast_in_dim3A_3 {strides = array<i32>} : memref<88x256xf32, #tpu.memory_space<vmem>>, vector<16xf32>,
    %swap3A_124 = arith.constant 87 : i32
    %swap3A_125 = arith.index_cast %swap3A_124 : i32 to index
    %swap3A_126 = arith.constant 224 : index
    %swap3A_127 = tpu.vector_load %arg9[%swap3A_125, %swap3A_126] {strides = array<i32>} : memref<88x256xf32, #tpu.memory_space<vmem>>, vector<16xf32>,
    tpu.vector_store %arg9[%swap3A_125, %swap3A_126], %broadcast_in_dim3A_3 {strides = array<i32>} : memref<88x256xf32, #tpu.memory_space<vmem>>, vector<16xf32>,
    %swap3A_128 = arith.constant 87 : i32
    %swap3A_129 = arith.index_cast %swap3A_128 : i32 to index
    %swap3A_130 = arith.constant 240 : index
    %swap3A_131 = tpu.vector_load %arg8[%swap3A_129, %swap3A_130] {strides = array<i32>} : memref<88x256xf32, #tpu.memory_space<vmem>>, vector<16xf32>,
    tpu.vector_store %arg8[%swap3A_129, %swap3A_130], %broadcast_in_dim3A_3 {strides = array<i32>} : memref<88x256xf32, #tpu.memory_space<vmem>>, vector<16xf32>,
    %swap3A_132 = arith.constant 87 : i32
    %swap3A_133 = arith.index_cast %swap3A_132 : i32 to index
    %swap3A_134 = arith.constant 240 : index
    %swap3A_135 = tpu.vector_load %arg9[%swap3A_133, %swap3A_134] {strides = array<i32>} : memref<88x256xf32, #tpu.memory_space<vmem>>, vector<16xf32>,
    tpu.vector_store %arg9[%swap3A_133, %swap3A_134], %broadcast_in_dim3A_3 {strides = array<i32>} : memref<88x256xf32, #tpu.memory_space<vmem>>, vector<16xf32>,
    %scan3A_136 = arith.constant 0 : i32
    %scan3A_137 = arith.constant 0 : i32
    %scan3A_138 = arith.constant 16 : i32
    %scan3A_139 = arith.addi %scan3A_137, %scan3A_138 : i32
    %scan3A_140 = arith.constant 1 : i32
    scf.for %scan3A_157 = %scan3A_137 to %scan3A_139 step %scan3A_140  : i32 {
      %gt3A = arith.constant 0 : i32
      %gt3A_158 = arith.cmpi sgt, %scan3A_157, %gt3A : i32
      %convert_element_type3A = arith.extui %gt3A_158 : i1 to i32
      %cond3A = arith.constant 0 : i32
      %cond3A_159 = arith.cmpi ne, %convert_element_type3A, %cond3A : i32
      scf.if %cond3A_159 {
        %dma_wait3A_484 = arith.constant 0 : i32
        %dma_wait3A_485 = tpu.memref_slice %arg4[%dma_wait3A_484, %mul3A_2] : memref<366x262144xf32, #tpu.memory_space<hbm>> -> memref<88x256xf32, #tpu.memory_space<hbm>>
        %dma_wait3A_486 = arith.constant 0 : i32
        %dma_wait3A_487 = tpu.memref_slice %arg4[%dma_wait3A_486, %mul3A_2] : memref<366x262144xf32, #tpu.memory_space<hbm>> -> memref<88x256xf32, #tpu.memory_space<hbm>>
        tpu.wait_dma2 semaphore(%arg11 : memref<!tpu.dma_semaphore, #tpu.memory_space<semaphore_mem>>) src(%arg8 : memref<88x256xf32, #tpu.memory_space<vmem>>) dst(%dma_wait3A_487 : memref<88x256xf32, #tpu.memory_space<hbm>>)
        %dma_wait3A_488 = arith.constant 88 : i32
        %dma_wait3A_489 = tpu.memref_slice %arg4[%dma_wait3A_488, %mul3A_2] : memref<366x262144xf32, #tpu.memory_space<hbm>> -> memref<278x256xf32, #tpu.memory_space<hbm>>
        %dma_wait3A_490 = arith.constant 88 : i32
        %dma_wait3A_491 = tpu.memref_slice %arg4[%dma_wait3A_490, %mul3A_2] : memref<366x262144xf32, #tpu.memory_space<hbm>> -> memref<278x256xf32, #tpu.memory_space<hbm>>
        tpu.wait_dma2 semaphore(%arg13 : memref<!tpu.dma_semaphore, #tpu.memory_space<semaphore_mem>>) src(%arg10 : memref<278x256xf32, #tpu.memory_space<vmem>>) dst(%dma_wait3A_491 : memref<278x256xf32, #tpu.memory_space<hbm>>)
      } else {
      }
      %mul3A_160 = arith.constant 2 : i32
      %mul3A_161 = arith.muli %mul3A_160, %scan3A_157 : i32
      %mul3A_162 = arith.constant 256 : i32
      %mul3A_163 = arith.muli %mul3A_161, %mul3A_162 : i32
      %add3A_164 = arith.addi %mul3A_2, %mul3A_163 : i32
      "tpu.region"() ({
        %run_scoped3A = tpu.sem_alloc : memref<!tpu.dma_semaphore, #tpu.memory_space<semaphore_mem>>
        %dma_start3A_484 = tpu.memref_slice %arg2[%add3A_164] : memref<262144xi32, #tpu.memory_space<hbm>> -> memref<256xi32, #tpu.memory_space<hbm>>
        %dma_start3A_485 = tpu.memref_slice %arg2[%add3A_164] : memref<262144xi32, #tpu.memory_space<hbm>> -> memref<256xi32, #tpu.memory_space<hbm>>
        tpu.enqueue_dma source(%dma_start3A_485 : memref<256xi32, #tpu.memory_space<hbm>>) target(%arg6 : memref<256xi32, #tpu.memory_space<vmem>>) target_semaphore(%run_scoped3A : memref<!tpu.dma_semaphore, #tpu.memory_space<semaphore_mem>>)
        %dma_wait3A_486 = tpu.memref_slice %arg2[%add3A_164] : memref<262144xi32, #tpu.memory_space<hbm>> -> memref<256xi32, #tpu.memory_space<hbm>>
        %dma_wait3A_487 = tpu.memref_slice %arg2[%add3A_164] : memref<262144xi32, #tpu.memory_space<hbm>> -> memref<256xi32, #tpu.memory_space<hbm>>
        tpu.wait_dma2 semaphore(%run_scoped3A : memref<!tpu.dma_semaphore, #tpu.memory_space<semaphore_mem>>) src(%dma_wait3A_487 : memref<256xi32, #tpu.memory_space<hbm>>) dst(%arg6 : memref<256xi32, #tpu.memory_space<vmem>>)
        tpu.yield
      }) : () -> ()
      %get3A = arith.constant 0 : index
      %get3A_165 = tpu.vector_load %arg6[%get3A] {strides = array<i32>} : memref<256xi32, #tpu.memory_space<vmem>>, vector<16xi32>,
      %get3A_166 = arith.constant 16 : index
      %get3A_167 = tpu.vector_load %arg6[%get3A_166] {strides = array<i32>} : memref<256xi32, #tpu.memory_space<vmem>>, vector<16xi32>,
      %get3A_168 = arith.constant 32 : index
      %get3A_169 = tpu.vector_load %arg6[%get3A_168] {strides = array<i32>} : memref<256xi32, #tpu.memory_space<vmem>>, vector<16xi32>,
      %get3A_170 = arith.constant 48 : index
      %get3A_171 = tpu.vector_load %arg6[%get3A_170] {strides = array<i32>} : memref<256xi32, #tpu.memory_space<vmem>>, vector<16xi32>,
      %get3A_172 = arith.constant 64 : index
      %get3A_173 = tpu.vector_load %arg6[%get3A_172] {strides = array<i32>} : memref<256xi32, #tpu.memory_space<vmem>>, vector<16xi32>,
      %get3A_174 = arith.constant 80 : index
      %get3A_175 = tpu.vector_load %arg6[%get3A_174] {strides = array<i32>} : memref<256xi32, #tpu.memory_space<vmem>>, vector<16xi32>,
      %get3A_176 = arith.constant 96 : index
      %get3A_177 = tpu.vector_load %arg6[%get3A_176] {strides = array<i32>} : memref<256xi32, #tpu.memory_space<vmem>>, vector<16xi32>,
      %get3A_178 = arith.constant 112 : index
      %get3A_179 = tpu.vector_load %arg6[%get3A_178] {strides = array<i32>} : memref<256xi32, #tpu.memory_space<vmem>>, vector<16xi32>,
      %get3A_180 = arith.constant 128 : index
      %get3A_181 = tpu.vector_load %arg6[%get3A_180] {strides = array<i32>} : memref<256xi32, #tpu.memory_space<vmem>>, vector<16xi32>,
      %get3A_182 = arith.constant 144 : index
      %get3A_183 = tpu.vector_load %arg6[%get3A_182] {strides = array<i32>} : memref<256xi32, #tpu.memory_space<vmem>>, vector<16xi32>,
      %get3A_184 = arith.constant 160 : index
      %get3A_185 = tpu.vector_load %arg6[%get3A_184] {strides = array<i32>} : memref<256xi32, #tpu.memory_space<vmem>>, vector<16xi32>,
      %get3A_186 = arith.constant 176 : index
      %get3A_187 = tpu.vector_load %arg6[%get3A_186] {strides = array<i32>} : memref<256xi32, #tpu.memory_space<vmem>>, vector<16xi32>,
      %get3A_188 = arith.constant 192 : index
      %get3A_189 = tpu.vector_load %arg6[%get3A_188] {strides = array<i32>} : memref<256xi32, #tpu.memory_space<vmem>>, vector<16xi32>,
      %get3A_190 = arith.constant 208 : index
      %get3A_191 = tpu.vector_load %arg6[%get3A_190] {strides = array<i32>} : memref<256xi32, #tpu.memory_space<vmem>>, vector<16xi32>,
      %get3A_192 = arith.constant 224 : index
      %get3A_193 = tpu.vector_load %arg6[%get3A_192] {strides = array<i32>} : memref<256xi32, #tpu.memory_space<vmem>>, vector<16xi32>,
      %get3A_194 = arith.constant 240 : index
      %get3A_195 = tpu.vector_load %arg6[%get3A_194] {strides = array<i32>} : memref<256xi32, #tpu.memory_space<vmem>>, vector<16xi32>,
      %scan3A_196 = arith.constant 0 : i32
      %scan3A_197 = arith.constant 0 : i32
      %scan3A_198 = arith.constant 86 : i32
      %scan3A_199 = arith.addi %scan3A_197, %scan3A_198 : i32
      %scan3A_200 = arith.constant 2 : i32
      scf.for %scan3A_484 = %scan3A_197 to %scan3A_199 step %scan3A_200  : i32 {
        %mul3A_485 = arith.constant 88 : i32
        %mul3A_486 = arith.muli %scan3A_484, %mul3A_485 : i32
        %add3A_487 = vector.broadcast %mul3A_486 : i32 to vector<16xi32>
        %add3A_488 = arith.addi %add3A_487, %get3A_165 : vector<16xi32>
        %gather3A_489 = tpu.vector_load_idx %arg5[%add3A_488] : memref<7656xf32, #tpu.memory_space<vmem>>[vector<16xi32>], vector<16xf32>,
        %add3A_490 = vector.broadcast %mul3A_486 : i32 to vector<16xi32>
        %add3A_491 = arith.addi %add3A_490, %get3A_167 : vector<16xi32>
        %gather3A_492 = tpu.vector_load_idx %arg5[%add3A_491] : memref<7656xf32, #tpu.memory_space<vmem>>[vector<16xi32>], vector<16xf32>,
        %add3A_493 = vector.broadcast %mul3A_486 : i32 to vector<16xi32>
        %add3A_494 = arith.addi %add3A_493, %get3A_169 : vector<16xi32>
        %gather3A_495 = tpu.vector_load_idx %arg5[%add3A_494] : memref<7656xf32, #tpu.memory_space<vmem>>[vector<16xi32>], vector<16xf32>,
        %add3A_496 = vector.broadcast %mul3A_486 : i32 to vector<16xi32>
        %add3A_497 = arith.addi %add3A_496, %get3A_171 : vector<16xi32>
        %gather3A_498 = tpu.vector_load_idx %arg5[%add3A_497] : memref<7656xf32, #tpu.memory_space<vmem>>[vector<16xi32>], vector<16xf32>,
        %add3A_499 = vector.broadcast %mul3A_486 : i32 to vector<16xi32>
        %add3A_500 = arith.addi %add3A_499, %get3A_173 : vector<16xi32>
        %gather3A_501 = tpu.vector_load_idx %arg5[%add3A_500] : memref<7656xf32, #tpu.memory_space<vmem>>[vector<16xi32>], vector<16xf32>,
        %add3A_502 = vector.broadcast %mul3A_486 : i32 to vector<16xi32>
        %add3A_503 = arith.addi %add3A_502, %get3A_175 : vector<16xi32>
        %gather3A_504 = tpu.vector_load_idx %arg5[%add3A_503] : memref<7656xf32, #tpu.memory_space<vmem>>[vector<16xi32>], vector<16xf32>,
        %add3A_505 = vector.broadcast %mul3A_486 : i32 to vector<16xi32>
        %add3A_506 = arith.addi %add3A_505, %get3A_177 : vector<16xi32>
        %gather3A_507 = tpu.vector_load_idx %arg5[%add3A_506] : memref<7656xf32, #tpu.memory_space<vmem>>[vector<16xi32>], vector<16xf32>,
        %add3A_508 = vector.broadcast %mul3A_486 : i32 to vector<16xi32>
        %add3A_509 = arith.addi %add3A_508, %get3A_179 : vector<16xi32>
        %gather3A_510 = tpu.vector_load_idx %arg5[%add3A_509] : memref<7656xf32, #tpu.memory_space<vmem>>[vector<16xi32>], vector<16xf32>,
        %add3A_511 = vector.broadcast %mul3A_486 : i32 to vector<16xi32>
        %add3A_512 = arith.addi %add3A_511, %get3A_181 : vector<16xi32>
        %gather3A_513 = tpu.vector_load_idx %arg5[%add3A_512] : memref<7656xf32, #tpu.memory_space<vmem>>[vector<16xi32>], vector<16xf32>,
        %add3A_514 = vector.broadcast %mul3A_486 : i32 to vector<16xi32>
        %add3A_515 = arith.addi %add3A_514, %get3A_183 : vector<16xi32>
        %gather3A_516 = tpu.vector_load_idx %arg5[%add3A_515] : memref<7656xf32, #tpu.memory_space<vmem>>[vector<16xi32>], vector<16xf32>,
        %add3A_517 = vector.broadcast %mul3A_486 : i32 to vector<16xi32>
        %add3A_518 = arith.addi %add3A_517, %get3A_185 : vector<16xi32>
        %gather3A_519 = tpu.vector_load_idx %arg5[%add3A_518] : memref<7656xf32, #tpu.memory_space<vmem>>[vector<16xi32>], vector<16xf32>,
        %add3A_520 = vector.broadcast %mul3A_486 : i32 to vector<16xi32>
        %add3A_521 = arith.addi %add3A_520, %get3A_187 : vector<16xi32>
        %gather3A_522 = tpu.vector_load_idx %arg5[%add3A_521] : memref<7656xf32, #tpu.memory_space<vmem>>[vector<16xi32>], vector<16xf32>,
        %add3A_523 = vector.broadcast %mul3A_486 : i32 to vector<16xi32>
        %add3A_524 = arith.addi %add3A_523, %get3A_189 : vector<16xi32>
        %gather3A_525 = tpu.vector_load_idx %arg5[%add3A_524] : memref<7656xf32, #tpu.memory_space<vmem>>[vector<16xi32>], vector<16xf32>,
        %add3A_526 = vector.broadcast %mul3A_486 : i32 to vector<16xi32>
        %add3A_527 = arith.addi %add3A_526, %get3A_191 : vector<16xi32>
        %gather3A_528 = tpu.vector_load_idx %arg5[%add3A_527] : memref<7656xf32, #tpu.memory_space<vmem>>[vector<16xi32>], vector<16xf32>,
        %add3A_529 = vector.broadcast %mul3A_486 : i32 to vector<16xi32>
        %add3A_530 = arith.addi %add3A_529, %get3A_193 : vector<16xi32>
        %gather3A_531 = tpu.vector_load_idx %arg5[%add3A_530] : memref<7656xf32, #tpu.memory_space<vmem>>[vector<16xi32>], vector<16xf32>,
        %add3A_532 = vector.broadcast %mul3A_486 : i32 to vector<16xi32>
        %add3A_533 = arith.addi %add3A_532, %get3A_195 : vector<16xi32>
        %gather3A_534 = tpu.vector_load_idx %arg5[%add3A_533] : memref<7656xf32, #tpu.memory_space<vmem>>[vector<16xi32>], vector<16xf32>,
        %swap3A_535 = arith.index_cast %scan3A_484 : i32 to index
        %swap3A_536 = arith.constant 0 : index
        %swap3A_537 = tpu.vector_load %arg8[%swap3A_535, %swap3A_536] {strides = array<i32>} : memref<88x256xf32, #tpu.memory_space<vmem>>, vector<16xf32>,
        tpu.vector_store %arg8[%swap3A_535, %swap3A_536], %gather3A_489 {strides = array<i32>} : memref<88x256xf32, #tpu.memory_space<vmem>>, vector<16xf32>,
        %swap3A_538 = arith.index_cast %scan3A_484 : i32 to index
        %swap3A_539 = arith.constant 16 : index
        %swap3A_540 = tpu.vector_load %arg8[%swap3A_538, %swap3A_539] {strides = array<i32>} : memref<88x256xf32, #tpu.memory_space<vmem>>, vector<16xf32>,
        tpu.vector_store %arg8[%swap3A_538, %swap3A_539], %gather3A_492 {strides = array<i32>} : memref<88x256xf32, #tpu.memory_space<vmem>>, vector<16xf32>,
        %swap3A_541 = arith.index_cast %scan3A_484 : i32 to index
        %swap3A_542 = arith.constant 32 : index
        %swap3A_543 = tpu.vector_load %arg8[%swap3A_541, %swap3A_542] {strides = array<i32>} : memref<88x256xf32, #tpu.memory_space<vmem>>, vector<16xf32>,
        tpu.vector_store %arg8[%swap3A_541, %swap3A_542], %gather3A_495 {strides = array<i32>} : memref<88x256xf32, #tpu.memory_space<vmem>>, vector<16xf32>,
        %swap3A_544 = arith.index_cast %scan3A_484 : i32 to index
        %swap3A_545 = arith.constant 48 : index
        %swap3A_546 = tpu.vector_load %arg8[%swap3A_544, %swap3A_545] {strides = array<i32>} : memref<88x256xf32, #tpu.memory_space<vmem>>, vector<16xf32>,
        tpu.vector_store %arg8[%swap3A_544, %swap3A_545], %gather3A_498 {strides = array<i32>} : memref<88x256xf32, #tpu.memory_space<vmem>>, vector<16xf32>,
        %swap3A_547 = arith.index_cast %scan3A_484 : i32 to index
        %swap3A_548 = arith.constant 64 : index
        %swap3A_549 = tpu.vector_load %arg8[%swap3A_547, %swap3A_548] {strides = array<i32>} : memref<88x256xf32, #tpu.memory_space<vmem>>, vector<16xf32>,
        tpu.vector_store %arg8[%swap3A_547, %swap3A_548], %gather3A_501 {strides = array<i32>} : memref<88x256xf32, #tpu.memory_space<vmem>>, vector<16xf32>,
        %swap3A_550 = arith.index_cast %scan3A_484 : i32 to index
        %swap3A_551 = arith.constant 80 : index
        %swap3A_552 = tpu.vector_load %arg8[%swap3A_550, %swap3A_551] {strides = array<i32>} : memref<88x256xf32, #tpu.memory_space<vmem>>, vector<16xf32>,
        tpu.vector_store %arg8[%swap3A_550, %swap3A_551], %gather3A_504 {strides = array<i32>} : memref<88x256xf32, #tpu.memory_space<vmem>>, vector<16xf32>,
        %swap3A_553 = arith.index_cast %scan3A_484 : i32 to index
        %swap3A_554 = arith.constant 96 : index
        %swap3A_555 = tpu.vector_load %arg8[%swap3A_553, %swap3A_554] {strides = array<i32>} : memref<88x256xf32, #tpu.memory_space<vmem>>, vector<16xf32>,
        tpu.vector_store %arg8[%swap3A_553, %swap3A_554], %gather3A_507 {strides = array<i32>} : memref<88x256xf32, #tpu.memory_space<vmem>>, vector<16xf32>,
        %swap3A_556 = arith.index_cast %scan3A_484 : i32 to index
        %swap3A_557 = arith.constant 112 : index
        %swap3A_558 = tpu.vector_load %arg8[%swap3A_556, %swap3A_557] {strides = array<i32>} : memref<88x256xf32, #tpu.memory_space<vmem>>, vector<16xf32>,
        tpu.vector_store %arg8[%swap3A_556, %swap3A_557], %gather3A_510 {strides = array<i32>} : memref<88x256xf32, #tpu.memory_space<vmem>>, vector<16xf32>,
        %swap3A_559 = arith.index_cast %scan3A_484 : i32 to index
        %swap3A_560 = arith.constant 128 : index
        %swap3A_561 = tpu.vector_load %arg8[%swap3A_559, %swap3A_560] {strides = array<i32>} : memref<88x256xf32, #tpu.memory_space<vmem>>, vector<16xf32>,
        tpu.vector_store %arg8[%swap3A_559, %swap3A_560], %gather3A_513 {strides = array<i32>} : memref<88x256xf32, #tpu.memory_space<vmem>>, vector<16xf32>,
        %swap3A_562 = arith.index_cast %scan3A_484 : i32 to index
        %swap3A_563 = arith.constant 144 : index
        %swap3A_564 = tpu.vector_load %arg8[%swap3A_562, %swap3A_563] {strides = array<i32>} : memref<88x256xf32, #tpu.memory_space<vmem>>, vector<16xf32>,
        tpu.vector_store %arg8[%swap3A_562, %swap3A_563], %gather3A_516 {strides = array<i32>} : memref<88x256xf32, #tpu.memory_space<vmem>>, vector<16xf32>,
        %swap3A_565 = arith.index_cast %scan3A_484 : i32 to index
        %swap3A_566 = arith.constant 160 : index
        %swap3A_567 = tpu.vector_load %arg8[%swap3A_565, %swap3A_566] {strides = array<i32>} : memref<88x256xf32, #tpu.memory_space<vmem>>, vector<16xf32>,
        tpu.vector_store %arg8[%swap3A_565, %swap3A_566], %gather3A_519 {strides = array<i32>} : memref<88x256xf32, #tpu.memory_space<vmem>>, vector<16xf32>,
        %swap3A_568 = arith.index_cast %scan3A_484 : i32 to index
        %swap3A_569 = arith.constant 176 : index
        %swap3A_570 = tpu.vector_load %arg8[%swap3A_568, %swap3A_569] {strides = array<i32>} : memref<88x256xf32, #tpu.memory_space<vmem>>, vector<16xf32>,
        tpu.vector_store %arg8[%swap3A_568, %swap3A_569], %gather3A_522 {strides = array<i32>} : memref<88x256xf32, #tpu.memory_space<vmem>>, vector<16xf32>,
        %swap3A_571 = arith.index_cast %scan3A_484 : i32 to index
        %swap3A_572 = arith.constant 192 : index
        %swap3A_573 = tpu.vector_load %arg8[%swap3A_571, %swap3A_572] {strides = array<i32>} : memref<88x256xf32, #tpu.memory_space<vmem>>, vector<16xf32>,
        tpu.vector_store %arg8[%swap3A_571, %swap3A_572], %gather3A_525 {strides = array<i32>} : memref<88x256xf32, #tpu.memory_space<vmem>>, vector<16xf32>,
        %swap3A_574 = arith.index_cast %scan3A_484 : i32 to index
        %swap3A_575 = arith.constant 208 : index
        %swap3A_576 = tpu.vector_load %arg8[%swap3A_574, %swap3A_575] {strides = array<i32>} : memref<88x256xf32, #tpu.memory_space<vmem>>, vector<16xf32>,
        tpu.vector_store %arg8[%swap3A_574, %swap3A_575], %gather3A_528 {strides = array<i32>} : memref<88x256xf32, #tpu.memory_space<vmem>>, vector<16xf32>,
        %swap3A_577 = arith.index_cast %scan3A_484 : i32 to index
        %swap3A_578 = arith.constant 224 : index
        %swap3A_579 = tpu.vector_load %arg8[%swap3A_577, %swap3A_578] {strides = array<i32>} : memref<88x256xf32, #tpu.memory_space<vmem>>, vector<16xf32>,
        tpu.vector_store %arg8[%swap3A_577, %swap3A_578], %gather3A_531 {strides = array<i32>} : memref<88x256xf32, #tpu.memory_space<vmem>>, vector<16xf32>,
        %swap3A_580 = arith.index_cast %scan3A_484 : i32 to index
        %swap3A_581 = arith.constant 240 : index
        %swap3A_582 = tpu.vector_load %arg8[%swap3A_580, %swap3A_581] {strides = array<i32>} : memref<88x256xf32, #tpu.memory_space<vmem>>, vector<16xf32>,
        tpu.vector_store %arg8[%swap3A_580, %swap3A_581], %gather3A_534 {strides = array<i32>} : memref<88x256xf32, #tpu.memory_space<vmem>>, vector<16xf32>,
        %scan3A_583 = arith.constant 1 : i32
        %scan3A_584 = arith.addi %scan3A_484, %scan3A_583 : i32
        %mul3A_585 = arith.constant 88 : i32
        %mul3A_586 = arith.muli %scan3A_584, %mul3A_585 : i32
        %add3A_587 = vector.broadcast %mul3A_586 : i32 to vector<16xi32>
        %add3A_588 = arith.addi %add3A_587, %get3A_165 : vector<16xi32>
        %gather3A_589 = tpu.vector_load_idx %arg5[%add3A_588] : memref<7656xf32, #tpu.memory_space<vmem>>[vector<16xi32>], vector<16xf32>,
        %add3A_590 = vector.broadcast %mul3A_586 : i32 to vector<16xi32>
        %add3A_591 = arith.addi %add3A_590, %get3A_167 : vector<16xi32>
        %gather3A_592 = tpu.vector_load_idx %arg5[%add3A_591] : memref<7656xf32, #tpu.memory_space<vmem>>[vector<16xi32>], vector<16xf32>,
        %add3A_593 = vector.broadcast %mul3A_586 : i32 to vector<16xi32>
        %add3A_594 = arith.addi %add3A_593, %get3A_169 : vector<16xi32>
        %gather3A_595 = tpu.vector_load_idx %arg5[%add3A_594] : memref<7656xf32, #tpu.memory_space<vmem>>[vector<16xi32>], vector<16xf32>,
        %add3A_596 = vector.broadcast %mul3A_586 : i32 to vector<16xi32>
        %add3A_597 = arith.addi %add3A_596, %get3A_171 : vector<16xi32>
        %gather3A_598 = tpu.vector_load_idx %arg5[%add3A_597] : memref<7656xf32, #tpu.memory_space<vmem>>[vector<16xi32>], vector<16xf32>,
        %add3A_599 = vector.broadcast %mul3A_586 : i32 to vector<16xi32>
        %add3A_600 = arith.addi %add3A_599, %get3A_173 : vector<16xi32>
        %gather3A_601 = tpu.vector_load_idx %arg5[%add3A_600] : memref<7656xf32, #tpu.memory_space<vmem>>[vector<16xi32>], vector<16xf32>,
        %add3A_602 = vector.broadcast %mul3A_586 : i32 to vector<16xi32>
        %add3A_603 = arith.addi %add3A_602, %get3A_175 : vector<16xi32>
        %gather3A_604 = tpu.vector_load_idx %arg5[%add3A_603] : memref<7656xf32, #tpu.memory_space<vmem>>[vector<16xi32>], vector<16xf32>,
        %add3A_605 = vector.broadcast %mul3A_586 : i32 to vector<16xi32>
        %add3A_606 = arith.addi %add3A_605, %get3A_177 : vector<16xi32>
        %gather3A_607 = tpu.vector_load_idx %arg5[%add3A_606] : memref<7656xf32, #tpu.memory_space<vmem>>[vector<16xi32>], vector<16xf32>,
        %add3A_608 = vector.broadcast %mul3A_586 : i32 to vector<16xi32>
        %add3A_609 = arith.addi %add3A_608, %get3A_179 : vector<16xi32>
        %gather3A_610 = tpu.vector_load_idx %arg5[%add3A_609] : memref<7656xf32, #tpu.memory_space<vmem>>[vector<16xi32>], vector<16xf32>,
        %add3A_611 = vector.broadcast %mul3A_586 : i32 to vector<16xi32>
        %add3A_612 = arith.addi %add3A_611, %get3A_181 : vector<16xi32>
        %gather3A_613 = tpu.vector_load_idx %arg5[%add3A_612] : memref<7656xf32, #tpu.memory_space<vmem>>[vector<16xi32>], vector<16xf32>,
        %add3A_614 = vector.broadcast %mul3A_586 : i32 to vector<16xi32>
        %add3A_615 = arith.addi %add3A_614, %get3A_183 : vector<16xi32>
        %gather3A_616 = tpu.vector_load_idx %arg5[%add3A_615] : memref<7656xf32, #tpu.memory_space<vmem>>[vector<16xi32>], vector<16xf32>,
        %add3A_617 = vector.broadcast %mul3A_586 : i32 to vector<16xi32>
        %add3A_618 = arith.addi %add3A_617, %get3A_185 : vector<16xi32>
        %gather3A_619 = tpu.vector_load_idx %arg5[%add3A_618] : memref<7656xf32, #tpu.memory_space<vmem>>[vector<16xi32>], vector<16xf32>,
        %add3A_620 = vector.broadcast %mul3A_586 : i32 to vector<16xi32>
        %add3A_621 = arith.addi %add3A_620, %get3A_187 : vector<16xi32>
        %gather3A_622 = tpu.vector_load_idx %arg5[%add3A_621] : memref<7656xf32, #tpu.memory_space<vmem>>[vector<16xi32>], vector<16xf32>,
        %add3A_623 = vector.broadcast %mul3A_586 : i32 to vector<16xi32>
        %add3A_624 = arith.addi %add3A_623, %get3A_189 : vector<16xi32>
        %gather3A_625 = tpu.vector_load_idx %arg5[%add3A_624] : memref<7656xf32, #tpu.memory_space<vmem>>[vector<16xi32>], vector<16xf32>,
        %add3A_626 = vector.broadcast %mul3A_586 : i32 to vector<16xi32>
        %add3A_627 = arith.addi %add3A_626, %get3A_191 : vector<16xi32>
        %gather3A_628 = tpu.vector_load_idx %arg5[%add3A_627] : memref<7656xf32, #tpu.memory_space<vmem>>[vector<16xi32>], vector<16xf32>,
        %add3A_629 = vector.broadcast %mul3A_586 : i32 to vector<16xi32>
        %add3A_630 = arith.addi %add3A_629, %get3A_193 : vector<16xi32>
        %gather3A_631 = tpu.vector_load_idx %arg5[%add3A_630] : memref<7656xf32, #tpu.memory_space<vmem>>[vector<16xi32>], vector<16xf32>,
        %add3A_632 = vector.broadcast %mul3A_586 : i32 to vector<16xi32>
        %add3A_633 = arith.addi %add3A_632, %get3A_195 : vector<16xi32>
        %gather3A_634 = tpu.vector_load_idx %arg5[%add3A_633] : memref<7656xf32, #tpu.memory_space<vmem>>[vector<16xi32>], vector<16xf32>,
        %swap3A_635 = arith.index_cast %scan3A_584 : i32 to index
        %swap3A_636 = arith.constant 0 : index
        %swap3A_637 = tpu.vector_load %arg8[%swap3A_635, %swap3A_636] {strides = array<i32>} : memref<88x256xf32, #tpu.memory_space<vmem>>, vector<16xf32>,
        tpu.vector_store %arg8[%swap3A_635, %swap3A_636], %gather3A_589 {strides = array<i32>} : memref<88x256xf32, #tpu.memory_space<vmem>>, vector<16xf32>,
        %swap3A_638 = arith.index_cast %scan3A_584 : i32 to index
        %swap3A_639 = arith.constant 16 : index
        %swap3A_640 = tpu.vector_load %arg8[%swap3A_638, %swap3A_639] {strides = array<i32>} : memref<88x256xf32, #tpu.memory_space<vmem>>, vector<16xf32>,
        tpu.vector_store %arg8[%swap3A_638, %swap3A_639], %gather3A_592 {strides = array<i32>} : memref<88x256xf32, #tpu.memory_space<vmem>>, vector<16xf32>,
        %swap3A_641 = arith.index_cast %scan3A_584 : i32 to index
        %swap3A_642 = arith.constant 32 : index
        %swap3A_643 = tpu.vector_load %arg8[%swap3A_641, %swap3A_642] {strides = array<i32>} : memref<88x256xf32, #tpu.memory_space<vmem>>, vector<16xf32>,
        tpu.vector_store %arg8[%swap3A_641, %swap3A_642], %gather3A_595 {strides = array<i32>} : memref<88x256xf32, #tpu.memory_space<vmem>>, vector<16xf32>,
        %swap3A_644 = arith.index_cast %scan3A_584 : i32 to index
        %swap3A_645 = arith.constant 48 : index
        %swap3A_646 = tpu.vector_load %arg8[%swap3A_644, %swap3A_645] {strides = array<i32>} : memref<88x256xf32, #tpu.memory_space<vmem>>, vector<16xf32>,
        tpu.vector_store %arg8[%swap3A_644, %swap3A_645], %gather3A_598 {strides = array<i32>} : memref<88x256xf32, #tpu.memory_space<vmem>>, vector<16xf32>,
        %swap3A_647 = arith.index_cast %scan3A_584 : i32 to index
        %swap3A_648 = arith.constant 64 : index
        %swap3A_649 = tpu.vector_load %arg8[%swap3A_647, %swap3A_648] {strides = array<i32>} : memref<88x256xf32, #tpu.memory_space<vmem>>, vector<16xf32>,
        tpu.vector_store %arg8[%swap3A_647, %swap3A_648], %gather3A_601 {strides = array<i32>} : memref<88x256xf32, #tpu.memory_space<vmem>>, vector<16xf32>,
        %swap3A_650 = arith.index_cast %scan3A_584 : i32 to index
        %swap3A_651 = arith.constant 80 : index
        %swap3A_652 = tpu.vector_load %arg8[%swap3A_650, %swap3A_651] {strides = array<i32>} : memref<88x256xf32, #tpu.memory_space<vmem>>, vector<16xf32>,
        tpu.vector_store %arg8[%swap3A_650, %swap3A_651], %gather3A_604 {strides = array<i32>} : memref<88x256xf32, #tpu.memory_space<vmem>>, vector<16xf32>,
        %swap3A_653 = arith.index_cast %scan3A_584 : i32 to index
        %swap3A_654 = arith.constant 96 : index
        %swap3A_655 = tpu.vector_load %arg8[%swap3A_653, %swap3A_654] {strides = array<i32>} : memref<88x256xf32, #tpu.memory_space<vmem>>, vector<16xf32>,
        tpu.vector_store %arg8[%swap3A_653, %swap3A_654], %gather3A_607 {strides = array<i32>} : memref<88x256xf32, #tpu.memory_space<vmem>>, vector<16xf32>,
        %swap3A_656 = arith.index_cast %scan3A_584 : i32 to index
        %swap3A_657 = arith.constant 112 : index
        %swap3A_658 = tpu.vector_load %arg8[%swap3A_656, %swap3A_657] {strides = array<i32>} : memref<88x256xf32, #tpu.memory_space<vmem>>, vector<16xf32>,
        tpu.vector_store %arg8[%swap3A_656, %swap3A_657], %gather3A_610 {strides = array<i32>} : memref<88x256xf32, #tpu.memory_space<vmem>>, vector<16xf32>,
        %swap3A_659 = arith.index_cast %scan3A_584 : i32 to index
        %swap3A_660 = arith.constant 128 : index
        %swap3A_661 = tpu.vector_load %arg8[%swap3A_659, %swap3A_660] {strides = array<i32>} : memref<88x256xf32, #tpu.memory_space<vmem>>, vector<16xf32>,
        tpu.vector_store %arg8[%swap3A_659, %swap3A_660], %gather3A_613 {strides = array<i32>} : memref<88x256xf32, #tpu.memory_space<vmem>>, vector<16xf32>,
        %swap3A_662 = arith.index_cast %scan3A_584 : i32 to index
        %swap3A_663 = arith.constant 144 : index
        %swap3A_664 = tpu.vector_load %arg8[%swap3A_662, %swap3A_663] {strides = array<i32>} : memref<88x256xf32, #tpu.memory_space<vmem>>, vector<16xf32>,
        tpu.vector_store %arg8[%swap3A_662, %swap3A_663], %gather3A_616 {strides = array<i32>} : memref<88x256xf32, #tpu.memory_space<vmem>>, vector<16xf32>,
        %swap3A_665 = arith.index_cast %scan3A_584 : i32 to index
        %swap3A_666 = arith.constant 160 : index
        %swap3A_667 = tpu.vector_load %arg8[%swap3A_665, %swap3A_666] {strides = array<i32>} : memref<88x256xf32, #tpu.memory_space<vmem>>, vector<16xf32>,
        tpu.vector_store %arg8[%swap3A_665, %swap3A_666], %gather3A_619 {strides = array<i32>} : memref<88x256xf32, #tpu.memory_space<vmem>>, vector<16xf32>,
        %swap3A_668 = arith.index_cast %scan3A_584 : i32 to index
        %swap3A_669 = arith.constant 176 : index
        %swap3A_670 = tpu.vector_load %arg8[%swap3A_668, %swap3A_669] {strides = array<i32>} : memref<88x256xf32, #tpu.memory_space<vmem>>, vector<16xf32>,
        tpu.vector_store %arg8[%swap3A_668, %swap3A_669], %gather3A_622 {strides = array<i32>} : memref<88x256xf32, #tpu.memory_space<vmem>>, vector<16xf32>,
        %swap3A_671 = arith.index_cast %scan3A_584 : i32 to index
        %swap3A_672 = arith.constant 192 : index
        %swap3A_673 = tpu.vector_load %arg8[%swap3A_671, %swap3A_672] {strides = array<i32>} : memref<88x256xf32, #tpu.memory_space<vmem>>, vector<16xf32>,
        tpu.vector_store %arg8[%swap3A_671, %swap3A_672], %gather3A_625 {strides = array<i32>} : memref<88x256xf32, #tpu.memory_space<vmem>>, vector<16xf32>,
        %swap3A_674 = arith.index_cast %scan3A_584 : i32 to index
        %swap3A_675 = arith.constant 208 : index
        %swap3A_676 = tpu.vector_load %arg8[%swap3A_674, %swap3A_675] {strides = array<i32>} : memref<88x256xf32, #tpu.memory_space<vmem>>, vector<16xf32>,
        tpu.vector_store %arg8[%swap3A_674, %swap3A_675], %gather3A_628 {strides = array<i32>} : memref<88x256xf32, #tpu.memory_space<vmem>>, vector<16xf32>,
        %swap3A_677 = arith.index_cast %scan3A_584 : i32 to index
        %swap3A_678 = arith.constant 224 : index
        %swap3A_679 = tpu.vector_load %arg8[%swap3A_677, %swap3A_678] {strides = array<i32>} : memref<88x256xf32, #tpu.memory_space<vmem>>, vector<16xf32>,
        tpu.vector_store %arg8[%swap3A_677, %swap3A_678], %gather3A_631 {strides = array<i32>} : memref<88x256xf32, #tpu.memory_space<vmem>>, vector<16xf32>,
        %swap3A_680 = arith.index_cast %scan3A_584 : i32 to index
        %swap3A_681 = arith.constant 240 : index
        %swap3A_682 = tpu.vector_load %arg8[%swap3A_680, %swap3A_681] {strides = array<i32>} : memref<88x256xf32, #tpu.memory_space<vmem>>, vector<16xf32>,
        tpu.vector_store %arg8[%swap3A_680, %swap3A_681], %gather3A_634 {strides = array<i32>} : memref<88x256xf32, #tpu.memory_space<vmem>>, vector<16xf32>,
      }
      %scan3A_201 = arith.constant 86 : i32
      %scan3A_202 = arith.addi %scan3A_197, %scan3A_201 : i32
      %mul3A_203 = arith.constant 88 : i32
      %mul3A_204 = arith.muli %scan3A_202, %mul3A_203 : i32
      %add3A_205 = vector.broadcast %mul3A_204 : i32 to vector<16xi32>
      %add3A_206 = arith.addi %add3A_205, %get3A_165 : vector<16xi32>
      %gather3A = tpu.vector_load_idx %arg5[%add3A_206] : memref<7656xf32, #tpu.memory_space<vmem>>[vector<16xi32>], vector<16xf32>,
      %add3A_207 = vector.broadcast %mul3A_204 : i32 to vector<16xi32>
      %add3A_208 = arith.addi %add3A_207, %get3A_167 : vector<16xi32>
      %gather3A_209 = tpu.vector_load_idx %arg5[%add3A_208] : memref<7656xf32, #tpu.memory_space<vmem>>[vector<16xi32>], vector<16xf32>,
      %add3A_210 = vector.broadcast %mul3A_204 : i32 to vector<16xi32>
      %add3A_211 = arith.addi %add3A_210, %get3A_169 : vector<16xi32>
      %gather3A_212 = tpu.vector_load_idx %arg5[%add3A_211] : memref<7656xf32, #tpu.memory_space<vmem>>[vector<16xi32>], vector<16xf32>,
      %add3A_213 = vector.broadcast %mul3A_204 : i32 to vector<16xi32>
      %add3A_214 = arith.addi %add3A_213, %get3A_171 : vector<16xi32>
      %gather3A_215 = tpu.vector_load_idx %arg5[%add3A_214] : memref<7656xf32, #tpu.memory_space<vmem>>[vector<16xi32>], vector<16xf32>,
      %add3A_216 = vector.broadcast %mul3A_204 : i32 to vector<16xi32>
      %add3A_217 = arith.addi %add3A_216, %get3A_173 : vector<16xi32>
      %gather3A_218 = tpu.vector_load_idx %arg5[%add3A_217] : memref<7656xf32, #tpu.memory_space<vmem>>[vector<16xi32>], vector<16xf32>,
      %add3A_219 = vector.broadcast %mul3A_204 : i32 to vector<16xi32>
      %add3A_220 = arith.addi %add3A_219, %get3A_175 : vector<16xi32>
      %gather3A_221 = tpu.vector_load_idx %arg5[%add3A_220] : memref<7656xf32, #tpu.memory_space<vmem>>[vector<16xi32>], vector<16xf32>,
      %add3A_222 = vector.broadcast %mul3A_204 : i32 to vector<16xi32>
      %add3A_223 = arith.addi %add3A_222, %get3A_177 : vector<16xi32>
      %gather3A_224 = tpu.vector_load_idx %arg5[%add3A_223] : memref<7656xf32, #tpu.memory_space<vmem>>[vector<16xi32>], vector<16xf32>,
      %add3A_225 = vector.broadcast %mul3A_204 : i32 to vector<16xi32>
      %add3A_226 = arith.addi %add3A_225, %get3A_179 : vector<16xi32>
      %gather3A_227 = tpu.vector_load_idx %arg5[%add3A_226] : memref<7656xf32, #tpu.memory_space<vmem>>[vector<16xi32>], vector<16xf32>,
      %add3A_228 = vector.broadcast %mul3A_204 : i32 to vector<16xi32>
      %add3A_229 = arith.addi %add3A_228, %get3A_181 : vector<16xi32>
      %gather3A_230 = tpu.vector_load_idx %arg5[%add3A_229] : memref<7656xf32, #tpu.memory_space<vmem>>[vector<16xi32>], vector<16xf32>,
      %add3A_231 = vector.broadcast %mul3A_204 : i32 to vector<16xi32>
      %add3A_232 = arith.addi %add3A_231, %get3A_183 : vector<16xi32>
      %gather3A_233 = tpu.vector_load_idx %arg5[%add3A_232] : memref<7656xf32, #tpu.memory_space<vmem>>[vector<16xi32>], vector<16xf32>,
      %add3A_234 = vector.broadcast %mul3A_204 : i32 to vector<16xi32>
      %add3A_235 = arith.addi %add3A_234, %get3A_185 : vector<16xi32>
      %gather3A_236 = tpu.vector_load_idx %arg5[%add3A_235] : memref<7656xf32, #tpu.memory_space<vmem>>[vector<16xi32>], vector<16xf32>,
      %add3A_237 = vector.broadcast %mul3A_204 : i32 to vector<16xi32>
      %add3A_238 = arith.addi %add3A_237, %get3A_187 : vector<16xi32>
      %gather3A_239 = tpu.vector_load_idx %arg5[%add3A_238] : memref<7656xf32, #tpu.memory_space<vmem>>[vector<16xi32>], vector<16xf32>,
      %add3A_240 = vector.broadcast %mul3A_204 : i32 to vector<16xi32>
      %add3A_241 = arith.addi %add3A_240, %get3A_189 : vector<16xi32>
      %gather3A_242 = tpu.vector_load_idx %arg5[%add3A_241] : memref<7656xf32, #tpu.memory_space<vmem>>[vector<16xi32>], vector<16xf32>,
      %add3A_243 = vector.broadcast %mul3A_204 : i32 to vector<16xi32>
      %add3A_244 = arith.addi %add3A_243, %get3A_191 : vector<16xi32>
      %gather3A_245 = tpu.vector_load_idx %arg5[%add3A_244] : memref<7656xf32, #tpu.memory_space<vmem>>[vector<16xi32>], vector<16xf32>,
      %add3A_246 = vector.broadcast %mul3A_204 : i32 to vector<16xi32>
      %add3A_247 = arith.addi %add3A_246, %get3A_193 : vector<16xi32>
      %gather3A_248 = tpu.vector_load_idx %arg5[%add3A_247] : memref<7656xf32, #tpu.memory_space<vmem>>[vector<16xi32>], vector<16xf32>,
      %add3A_249 = vector.broadcast %mul3A_204 : i32 to vector<16xi32>
      %add3A_250 = arith.addi %add3A_249, %get3A_195 : vector<16xi32>
      %gather3A_251 = tpu.vector_load_idx %arg5[%add3A_250] : memref<7656xf32, #tpu.memory_space<vmem>>[vector<16xi32>], vector<16xf32>,
      %swap3A_252 = arith.index_cast %scan3A_202 : i32 to index
      %swap3A_253 = arith.constant 0 : index
      %swap3A_254 = tpu.vector_load %arg8[%swap3A_252, %swap3A_253] {strides = array<i32>} : memref<88x256xf32, #tpu.memory_space<vmem>>, vector<16xf32>,
      tpu.vector_store %arg8[%swap3A_252, %swap3A_253], %gather3A {strides = array<i32>} : memref<88x256xf32, #tpu.memory_space<vmem>>, vector<16xf32>,
      %swap3A_255 = arith.index_cast %scan3A_202 : i32 to index
      %swap3A_256 = arith.constant 16 : index
      %swap3A_257 = tpu.vector_load %arg8[%swap3A_255, %swap3A_256] {strides = array<i32>} : memref<88x256xf32, #tpu.memory_space<vmem>>, vector<16xf32>,
      tpu.vector_store %arg8[%swap3A_255, %swap3A_256], %gather3A_209 {strides = array<i32>} : memref<88x256xf32, #tpu.memory_space<vmem>>, vector<16xf32>,
      %swap3A_258 = arith.index_cast %scan3A_202 : i32 to index
      %swap3A_259 = arith.constant 32 : index
      %swap3A_260 = tpu.vector_load %arg8[%swap3A_258, %swap3A_259] {strides = array<i32>} : memref<88x256xf32, #tpu.memory_space<vmem>>, vector<16xf32>,
      tpu.vector_store %arg8[%swap3A_258, %swap3A_259], %gather3A_212 {strides = array<i32>} : memref<88x256xf32, #tpu.memory_space<vmem>>, vector<16xf32>,
      %swap3A_261 = arith.index_cast %scan3A_202 : i32 to index
      %swap3A_262 = arith.constant 48 : index
      %swap3A_263 = tpu.vector_load %arg8[%swap3A_261, %swap3A_262] {strides = array<i32>} : memref<88x256xf32, #tpu.memory_space<vmem>>, vector<16xf32>,
      tpu.vector_store %arg8[%swap3A_261, %swap3A_262], %gather3A_215 {strides = array<i32>} : memref<88x256xf32, #tpu.memory_space<vmem>>, vector<16xf32>,
      %swap3A_264 = arith.index_cast %scan3A_202 : i32 to index
      %swap3A_265 = arith.constant 64 : index
      %swap3A_266 = tpu.vector_load %arg8[%swap3A_264, %swap3A_265] {strides = array<i32>} : memref<88x256xf32, #tpu.memory_space<vmem>>, vector<16xf32>,
      tpu.vector_store %arg8[%swap3A_264, %swap3A_265], %gather3A_218 {strides = array<i32>} : memref<88x256xf32, #tpu.memory_space<vmem>>, vector<16xf32>,
      %swap3A_267 = arith.index_cast %scan3A_202 : i32 to index
      %swap3A_268 = arith.constant 80 : index
      %swap3A_269 = tpu.vector_load %arg8[%swap3A_267, %swap3A_268] {strides = array<i32>} : memref<88x256xf32, #tpu.memory_space<vmem>>, vector<16xf32>,
      tpu.vector_store %arg8[%swap3A_267, %swap3A_268], %gather3A_221 {strides = array<i32>} : memref<88x256xf32, #tpu.memory_space<vmem>>, vector<16xf32>,
      %swap3A_270 = arith.index_cast %scan3A_202 : i32 to index
      %swap3A_271 = arith.constant 96 : index
      %swap3A_272 = tpu.vector_load %arg8[%swap3A_270, %swap3A_271] {strides = array<i32>} : memref<88x256xf32, #tpu.memory_space<vmem>>, vector<16xf32>,
      tpu.vector_store %arg8[%swap3A_270, %swap3A_271], %gather3A_224 {strides = array<i32>} : memref<88x256xf32, #tpu.memory_space<vmem>>, vector<16xf32>,
      %swap3A_273 = arith.index_cast %scan3A_202 : i32 to index
      %swap3A_274 = arith.constant 112 : index
      %swap3A_275 = tpu.vector_load %arg8[%swap3A_273, %swap3A_274] {strides = array<i32>} : memref<88x256xf32, #tpu.memory_space<vmem>>, vector<16xf32>,
      tpu.vector_store %arg8[%swap3A_273, %swap3A_274], %gather3A_227 {strides = array<i32>} : memref<88x256xf32, #tpu.memory_space<vmem>>, vector<16xf32>,
      %swap3A_276 = arith.index_cast %scan3A_202 : i32 to index
      %swap3A_277 = arith.constant 128 : index
      %swap3A_278 = tpu.vector_load %arg8[%swap3A_276, %swap3A_277] {strides = array<i32>} : memref<88x256xf32, #tpu.memory_space<vmem>>, vector<16xf32>,
      tpu.vector_store %arg8[%swap3A_276, %swap3A_277], %gather3A_230 {strides = array<i32>} : memref<88x256xf32, #tpu.memory_space<vmem>>, vector<16xf32>,
      %swap3A_279 = arith.index_cast %scan3A_202 : i32 to index
      %swap3A_280 = arith.constant 144 : index
      %swap3A_281 = tpu.vector_load %arg8[%swap3A_279, %swap3A_280] {strides = array<i32>} : memref<88x256xf32, #tpu.memory_space<vmem>>, vector<16xf32>,
      tpu.vector_store %arg8[%swap3A_279, %swap3A_280], %gather3A_233 {strides = array<i32>} : memref<88x256xf32, #tpu.memory_space<vmem>>, vector<16xf32>,
      %swap3A_282 = arith.index_cast %scan3A_202 : i32 to index
      %swap3A_283 = arith.constant 160 : index
      %swap3A_284 = tpu.vector_load %arg8[%swap3A_282, %swap3A_283] {strides = array<i32>} : memref<88x256xf32, #tpu.memory_space<vmem>>, vector<16xf32>,
      tpu.vector_store %arg8[%swap3A_282, %swap3A_283], %gather3A_236 {strides = array<i32>} : memref<88x256xf32, #tpu.memory_space<vmem>>, vector<16xf32>,
      %swap3A_285 = arith.index_cast %scan3A_202 : i32 to index
      %swap3A_286 = arith.constant 176 : index
      %swap3A_287 = tpu.vector_load %arg8[%swap3A_285, %swap3A_286] {strides = array<i32>} : memref<88x256xf32, #tpu.memory_space<vmem>>, vector<16xf32>,
      tpu.vector_store %arg8[%swap3A_285, %swap3A_286], %gather3A_239 {strides = array<i32>} : memref<88x256xf32, #tpu.memory_space<vmem>>, vector<16xf32>,
      %swap3A_288 = arith.index_cast %scan3A_202 : i32 to index
      %swap3A_289 = arith.constant 192 : index
      %swap3A_290 = tpu.vector_load %arg8[%swap3A_288, %swap3A_289] {strides = array<i32>} : memref<88x256xf32, #tpu.memory_space<vmem>>, vector<16xf32>,
      tpu.vector_store %arg8[%swap3A_288, %swap3A_289], %gather3A_242 {strides = array<i32>} : memref<88x256xf32, #tpu.memory_space<vmem>>, vector<16xf32>,
      %swap3A_291 = arith.index_cast %scan3A_202 : i32 to index
      %swap3A_292 = arith.constant 208 : index
      %swap3A_293 = tpu.vector_load %arg8[%swap3A_291, %swap3A_292] {strides = array<i32>} : memref<88x256xf32, #tpu.memory_space<vmem>>, vector<16xf32>,
      tpu.vector_store %arg8[%swap3A_291, %swap3A_292], %gather3A_245 {strides = array<i32>} : memref<88x256xf32, #tpu.memory_space<vmem>>, vector<16xf32>,
      %swap3A_294 = arith.index_cast %scan3A_202 : i32 to index
      %swap3A_295 = arith.constant 224 : index
      %swap3A_296 = tpu.vector_load %arg8[%swap3A_294, %swap3A_295] {strides = array<i32>} : memref<88x256xf32, #tpu.memory_space<vmem>>, vector<16xf32>,
      tpu.vector_store %arg8[%swap3A_294, %swap3A_295], %gather3A_248 {strides = array<i32>} : memref<88x256xf32, #tpu.memory_space<vmem>>, vector<16xf32>,
      %swap3A_297 = arith.index_cast %scan3A_202 : i32 to index
      %swap3A_298 = arith.constant 240 : index
      %swap3A_299 = tpu.vector_load %arg8[%swap3A_297, %swap3A_298] {strides = array<i32>} : memref<88x256xf32, #tpu.memory_space<vmem>>, vector<16xf32>,
      tpu.vector_store %arg8[%swap3A_297, %swap3A_298], %gather3A_251 {strides = array<i32>} : memref<88x256xf32, #tpu.memory_space<vmem>>, vector<16xf32>,
      %scan3A_300 = arith.constant 87 : i32
      %mul3A_301 = arith.constant 2 : i32
      %mul3A_302 = arith.muli %mul3A_301, %scan3A_157 : i32
      %mul3A_303 = arith.constant 256 : i32
      %mul3A_304 = arith.muli %mul3A_302, %mul3A_303 : i32
      %add3A_305 = arith.addi %mul3A_2, %mul3A_304 : i32
      %dma_start3A = arith.constant 0 : i32
      %dma_start3A_306 = tpu.memref_slice %arg4[%dma_start3A, %add3A_305] : memref<366x262144xf32, #tpu.memory_space<hbm>> -> memref<88x256xf32, #tpu.memory_space<hbm>>
      %dma_start3A_307 = arith.constant 0 : i32
      %dma_start3A_308 = tpu.memref_slice %arg4[%dma_start3A_307, %add3A_305] : memref<366x262144xf32, #tpu.memory_space<hbm>> -> memref<88x256xf32, #tpu.memory_space<hbm>>
      tpu.enqueue_dma source(%arg8 : memref<88x256xf32, #tpu.memory_space<vmem>>) target(%dma_start3A_308 : memref<88x256xf32, #tpu.memory_space<hbm>>) target_semaphore(%arg11 : memref<!tpu.dma_semaphore, #tpu.memory_space<semaphore_mem>>)
      %mul3A_309 = arith.constant 256 : i32
      %mul3A_310 = arith.muli %mul3A_302, %mul3A_309 : i32
      %add3A_311 = arith.addi %mul3A_2, %mul3A_310 : i32
      %dma_start3A_312 = arith.constant 88 : i32
      %dma_start3A_313 = tpu.memref_slice %arg4[%dma_start3A_312, %add3A_311] : memref<366x262144xf32, #tpu.memory_space<hbm>> -> memref<278x256xf32, #tpu.memory_space<hbm>>
      %dma_start3A_314 = arith.constant 88 : i32
      %dma_start3A_315 = tpu.memref_slice %arg4[%dma_start3A_314, %add3A_311] : memref<366x262144xf32, #tpu.memory_space<hbm>> -> memref<278x256xf32, #tpu.memory_space<hbm>>
      tpu.enqueue_dma source(%arg10 : memref<278x256xf32, #tpu.memory_space<vmem>>) target(%dma_start3A_315 : memref<278x256xf32, #tpu.memory_space<hbm>>) target_semaphore(%arg13 : memref<!tpu.dma_semaphore, #tpu.memory_space<semaphore_mem>>)
      %gt3A_316 = arith.constant 0 : i32
      %gt3A_317 = arith.cmpi sgt, %scan3A_157, %gt3A_316 : i32
      %convert_element_type3A_318 = arith.extui %gt3A_317 : i1 to i32
      %cond3A_319 = arith.constant 0 : i32
      %cond3A_320 = arith.cmpi ne, %convert_element_type3A_318, %cond3A_319 : i32
      scf.if %cond3A_320 {
        %dma_wait3A_484 = arith.constant 0 : i32
        %dma_wait3A_485 = tpu.memref_slice %arg4[%dma_wait3A_484, %mul3A_2] : memref<366x262144xf32, #tpu.memory_space<hbm>> -> memref<88x256xf32, #tpu.memory_space<hbm>>
        %dma_wait3A_486 = arith.constant 0 : i32
        %dma_wait3A_487 = tpu.memref_slice %arg4[%dma_wait3A_486, %mul3A_2] : memref<366x262144xf32, #tpu.memory_space<hbm>> -> memref<88x256xf32, #tpu.memory_space<hbm>>
        tpu.wait_dma2 semaphore(%arg12 : memref<!tpu.dma_semaphore, #tpu.memory_space<semaphore_mem>>) src(%arg9 : memref<88x256xf32, #tpu.memory_space<vmem>>) dst(%dma_wait3A_487 : memref<88x256xf32, #tpu.memory_space<hbm>>)
        %dma_wait3A_488 = arith.constant 88 : i32
        %dma_wait3A_489 = tpu.memref_slice %arg4[%dma_wait3A_488, %mul3A_2] : memref<366x262144xf32, #tpu.memory_space<hbm>> -> memref<278x256xf32, #tpu.memory_space<hbm>>
        %dma_wait3A_490 = arith.constant 88 : i32
        %dma_wait3A_491 = tpu.memref_slice %arg4[%dma_wait3A_490, %mul3A_2] : memref<366x262144xf32, #tpu.memory_space<hbm>> -> memref<278x256xf32, #tpu.memory_space<hbm>>
        tpu.wait_dma2 semaphore(%arg14 : memref<!tpu.dma_semaphore, #tpu.memory_space<semaphore_mem>>) src(%arg10 : memref<278x256xf32, #tpu.memory_space<vmem>>) dst(%dma_wait3A_491 : memref<278x256xf32, #tpu.memory_space<hbm>>)
      } else {
      }
      %mul3A_321 = arith.constant 2 : i32
      %mul3A_322 = arith.muli %mul3A_321, %scan3A_157 : i32
      %add3A_323 = arith.constant 1 : i32
      %add3A_324 = arith.addi %mul3A_322, %add3A_323 : i32
      %mul3A_325 = arith.constant 256 : i32
      %mul3A_326 = arith.muli %add3A_324, %mul3A_325 : i32
      %add3A_327 = arith.addi %mul3A_2, %mul3A_326 : i32
      "tpu.region"() ({
        %run_scoped3A = tpu.sem_alloc : memref<!tpu.dma_semaphore, #tpu.memory_space<semaphore_mem>>
        %dma_start3A_484 = tpu.memref_slice %arg2[%add3A_327] : memref<262144xi32, #tpu.memory_space<hbm>> -> memref<256xi32, #tpu.memory_space<hbm>>
        %dma_start3A_485 = tpu.memref_slice %arg2[%add3A_327] : memref<262144xi32, #tpu.memory_space<hbm>> -> memref<256xi32, #tpu.memory_space<hbm>>
        tpu.enqueue_dma source(%dma_start3A_485 : memref<256xi32, #tpu.memory_space<hbm>>) target(%arg7 : memref<256xi32, #tpu.memory_space<vmem>>) target_semaphore(%run_scoped3A : memref<!tpu.dma_semaphore, #tpu.memory_space<semaphore_mem>>)
        %dma_wait3A_486 = tpu.memref_slice %arg2[%add3A_327] : memref<262144xi32, #tpu.memory_space<hbm>> -> memref<256xi32, #tpu.memory_space<hbm>>
        %dma_wait3A_487 = tpu.memref_slice %arg2[%add3A_327] : memref<262144xi32, #tpu.memory_space<hbm>> -> memref<256xi32, #tpu.memory_space<hbm>>
        tpu.wait_dma2 semaphore(%run_scoped3A : memref<!tpu.dma_semaphore, #tpu.memory_space<semaphore_mem>>) src(%dma_wait3A_487 : memref<256xi32, #tpu.memory_space<hbm>>) dst(%arg7 : memref<256xi32, #tpu.memory_space<vmem>>)
        tpu.yield
      }) : () -> ()
      %get3A_328 = arith.constant 0 : index
      %get3A_329 = tpu.vector_load %arg7[%get3A_328] {strides = array<i32>} : memref<256xi32, #tpu.memory_space<vmem>>, vector<16xi32>,
      %get3A_330 = arith.constant 16 : index
      %get3A_331 = tpu.vector_load %arg7[%get3A_330] {strides = array<i32>} : memref<256xi32, #tpu.memory_space<vmem>>, vector<16xi32>,
      %get3A_332 = arith.constant 32 : index
      %get3A_333 = tpu.vector_load %arg7[%get3A_332] {strides = array<i32>} : memref<256xi32, #tpu.memory_space<vmem>>, vector<16xi32>,
      %get3A_334 = arith.constant 48 : index
      %get3A_335 = tpu.vector_load %arg7[%get3A_334] {strides = array<i32>} : memref<256xi32, #tpu.memory_space<vmem>>, vector<16xi32>,
      %get3A_336 = arith.constant 64 : index
      %get3A_337 = tpu.vector_load %arg7[%get3A_336] {strides = array<i32>} : memref<256xi32, #tpu.memory_space<vmem>>, vector<16xi32>,
      %get3A_338 = arith.constant 80 : index
      %get3A_339 = tpu.vector_load %arg7[%get3A_338] {strides = array<i32>} : memref<256xi32, #tpu.memory_space<vmem>>, vector<16xi32>,
      %get3A_340 = arith.constant 96 : index
      %get3A_341 = tpu.vector_load %arg7[%get3A_340] {strides = array<i32>} : memref<256xi32, #tpu.memory_space<vmem>>, vector<16xi32>,
      %get3A_342 = arith.constant 112 : index
      %get3A_343 = tpu.vector_load %arg7[%get3A_342] {strides = array<i32>} : memref<256xi32, #tpu.memory_space<vmem>>, vector<16xi32>,
      %get3A_344 = arith.constant 128 : index
      %get3A_345 = tpu.vector_load %arg7[%get3A_344] {strides = array<i32>} : memref<256xi32, #tpu.memory_space<vmem>>, vector<16xi32>,
      %get3A_346 = arith.constant 144 : index
      %get3A_347 = tpu.vector_load %arg7[%get3A_346] {strides = array<i32>} : memref<256xi32, #tpu.memory_space<vmem>>, vector<16xi32>,
      %get3A_348 = arith.constant 160 : index
      %get3A_349 = tpu.vector_load %arg7[%get3A_348] {strides = array<i32>} : memref<256xi32, #tpu.memory_space<vmem>>, vector<16xi32>,
      %get3A_350 = arith.constant 176 : index
      %get3A_351 = tpu.vector_load %arg7[%get3A_350] {strides = array<i32>} : memref<256xi32, #tpu.memory_space<vmem>>, vector<16xi32>,
      %get3A_352 = arith.constant 192 : index
      %get3A_353 = tpu.vector_load %arg7[%get3A_352] {strides = array<i32>} : memref<256xi32, #tpu.memory_space<vmem>>, vector<16xi32>,
      %get3A_354 = arith.constant 208 : index
      %get3A_355 = tpu.vector_load %arg7[%get3A_354] {strides = array<i32>} : memref<256xi32, #tpu.memory_space<vmem>>, vector<16xi32>,
      %get3A_356 = arith.constant 224 : index
      %get3A_357 = tpu.vector_load %arg7[%get3A_356] {strides = array<i32>} : memref<256xi32, #tpu.memory_space<vmem>>, vector<16xi32>,
      %get3A_358 = arith.constant 240 : index
      %get3A_359 = tpu.vector_load %arg7[%get3A_358] {strides = array<i32>} : memref<256xi32, #tpu.memory_space<vmem>>, vector<16xi32>,
      %scan3A_360 = arith.constant 0 : i32
      %scan3A_361 = arith.constant 0 : i32
      %scan3A_362 = arith.constant 86 : i32
      %scan3A_363 = arith.addi %scan3A_361, %scan3A_362 : i32
      %scan3A_364 = arith.constant 2 : i32
      scf.for %scan3A_484 = %scan3A_361 to %scan3A_363 step %scan3A_364  : i32 {
        %mul3A_485 = arith.constant 88 : i32
        %mul3A_486 = arith.muli %scan3A_484, %mul3A_485 : i32
        %add3A_487 = vector.broadcast %mul3A_486 : i32 to vector<16xi32>
        %add3A_488 = arith.addi %add3A_487, %get3A_329 : vector<16xi32>
        %gather3A_489 = tpu.vector_load_idx %arg5[%add3A_488] : memref<7656xf32, #tpu.memory_space<vmem>>[vector<16xi32>], vector<16xf32>,
        %add3A_490 = vector.broadcast %mul3A_486 : i32 to vector<16xi32>
        %add3A_491 = arith.addi %add3A_490, %get3A_331 : vector<16xi32>
        %gather3A_492 = tpu.vector_load_idx %arg5[%add3A_491] : memref<7656xf32, #tpu.memory_space<vmem>>[vector<16xi32>], vector<16xf32>,
        %add3A_493 = vector.broadcast %mul3A_486 : i32 to vector<16xi32>
        %add3A_494 = arith.addi %add3A_493, %get3A_333 : vector<16xi32>
        %gather3A_495 = tpu.vector_load_idx %arg5[%add3A_494] : memref<7656xf32, #tpu.memory_space<vmem>>[vector<16xi32>], vector<16xf32>,
        %add3A_496 = vector.broadcast %mul3A_486 : i32 to vector<16xi32>
        %add3A_497 = arith.addi %add3A_496, %get3A_335 : vector<16xi32>
        %gather3A_498 = tpu.vector_load_idx %arg5[%add3A_497] : memref<7656xf32, #tpu.memory_space<vmem>>[vector<16xi32>], vector<16xf32>,
        %add3A_499 = vector.broadcast %mul3A_486 : i32 to vector<16xi32>
        %add3A_500 = arith.addi %add3A_499, %get3A_337 : vector<16xi32>
        %gather3A_501 = tpu.vector_load_idx %arg5[%add3A_500] : memref<7656xf32, #tpu.memory_space<vmem>>[vector<16xi32>], vector<16xf32>,
        %add3A_502 = vector.broadcast %mul3A_486 : i32 to vector<16xi32>
        %add3A_503 = arith.addi %add3A_502, %get3A_339 : vector<16xi32>
        %gather3A_504 = tpu.vector_load_idx %arg5[%add3A_503] : memref<7656xf32, #tpu.memory_space<vmem>>[vector<16xi32>], vector<16xf32>,
        %add3A_505 = vector.broadcast %mul3A_486 : i32 to vector<16xi32>
        %add3A_506 = arith.addi %add3A_505, %get3A_341 : vector<16xi32>
        %gather3A_507 = tpu.vector_load_idx %arg5[%add3A_506] : memref<7656xf32, #tpu.memory_space<vmem>>[vector<16xi32>], vector<16xf32>,
        %add3A_508 = vector.broadcast %mul3A_486 : i32 to vector<16xi32>
        %add3A_509 = arith.addi %add3A_508, %get3A_343 : vector<16xi32>
        %gather3A_510 = tpu.vector_load_idx %arg5[%add3A_509] : memref<7656xf32, #tpu.memory_space<vmem>>[vector<16xi32>], vector<16xf32>,
        %add3A_511 = vector.broadcast %mul3A_486 : i32 to vector<16xi32>
        %add3A_512 = arith.addi %add3A_511, %get3A_345 : vector<16xi32>
        %gather3A_513 = tpu.vector_load_idx %arg5[%add3A_512] : memref<7656xf32, #tpu.memory_space<vmem>>[vector<16xi32>], vector<16xf32>,
        %add3A_514 = vector.broadcast %mul3A_486 : i32 to vector<16xi32>
        %add3A_515 = arith.addi %add3A_514, %get3A_347 : vector<16xi32>
        %gather3A_516 = tpu.vector_load_idx %arg5[%add3A_515] : memref<7656xf32, #tpu.memory_space<vmem>>[vector<16xi32>], vector<16xf32>,
        %add3A_517 = vector.broadcast %mul3A_486 : i32 to vector<16xi32>
        %add3A_518 = arith.addi %add3A_517, %get3A_349 : vector<16xi32>
        %gather3A_519 = tpu.vector_load_idx %arg5[%add3A_518] : memref<7656xf32, #tpu.memory_space<vmem>>[vector<16xi32>], vector<16xf32>,
        %add3A_520 = vector.broadcast %mul3A_486 : i32 to vector<16xi32>
        %add3A_521 = arith.addi %add3A_520, %get3A_351 : vector<16xi32>
        %gather3A_522 = tpu.vector_load_idx %arg5[%add3A_521] : memref<7656xf32, #tpu.memory_space<vmem>>[vector<16xi32>], vector<16xf32>,
        %add3A_523 = vector.broadcast %mul3A_486 : i32 to vector<16xi32>
        %add3A_524 = arith.addi %add3A_523, %get3A_353 : vector<16xi32>
        %gather3A_525 = tpu.vector_load_idx %arg5[%add3A_524] : memref<7656xf32, #tpu.memory_space<vmem>>[vector<16xi32>], vector<16xf32>,
        %add3A_526 = vector.broadcast %mul3A_486 : i32 to vector<16xi32>
        %add3A_527 = arith.addi %add3A_526, %get3A_355 : vector<16xi32>
        %gather3A_528 = tpu.vector_load_idx %arg5[%add3A_527] : memref<7656xf32, #tpu.memory_space<vmem>>[vector<16xi32>], vector<16xf32>,
        %add3A_529 = vector.broadcast %mul3A_486 : i32 to vector<16xi32>
        %add3A_530 = arith.addi %add3A_529, %get3A_357 : vector<16xi32>
        %gather3A_531 = tpu.vector_load_idx %arg5[%add3A_530] : memref<7656xf32, #tpu.memory_space<vmem>>[vector<16xi32>], vector<16xf32>,
        %add3A_532 = vector.broadcast %mul3A_486 : i32 to vector<16xi32>
        %add3A_533 = arith.addi %add3A_532, %get3A_359 : vector<16xi32>
        %gather3A_534 = tpu.vector_load_idx %arg5[%add3A_533] : memref<7656xf32, #tpu.memory_space<vmem>>[vector<16xi32>], vector<16xf32>,
        %swap3A_535 = arith.index_cast %scan3A_484 : i32 to index
        %swap3A_536 = arith.constant 0 : index
        %swap3A_537 = tpu.vector_load %arg9[%swap3A_535, %swap3A_536] {strides = array<i32>} : memref<88x256xf32, #tpu.memory_space<vmem>>, vector<16xf32>,
        tpu.vector_store %arg9[%swap3A_535, %swap3A_536], %gather3A_489 {strides = array<i32>} : memref<88x256xf32, #tpu.memory_space<vmem>>, vector<16xf32>,
        %swap3A_538 = arith.index_cast %scan3A_484 : i32 to index
        %swap3A_539 = arith.constant 16 : index
        %swap3A_540 = tpu.vector_load %arg9[%swap3A_538, %swap3A_539] {strides = array<i32>} : memref<88x256xf32, #tpu.memory_space<vmem>>, vector<16xf32>,
        tpu.vector_store %arg9[%swap3A_538, %swap3A_539], %gather3A_492 {strides = array<i32>} : memref<88x256xf32, #tpu.memory_space<vmem>>, vector<16xf32>,
        %swap3A_541 = arith.index_cast %scan3A_484 : i32 to index
        %swap3A_542 = arith.constant 32 : index
        %swap3A_543 = tpu.vector_load %arg9[%swap3A_541, %swap3A_542] {strides = array<i32>} : memref<88x256xf32, #tpu.memory_space<vmem>>, vector<16xf32>,
        tpu.vector_store %arg9[%swap3A_541, %swap3A_542], %gather3A_495 {strides = array<i32>} : memref<88x256xf32, #tpu.memory_space<vmem>>, vector<16xf32>,
        %swap3A_544 = arith.index_cast %scan3A_484 : i32 to index
        %swap3A_545 = arith.constant 48 : index
        %swap3A_546 = tpu.vector_load %arg9[%swap3A_544, %swap3A_545] {strides = array<i32>} : memref<88x256xf32, #tpu.memory_space<vmem>>, vector<16xf32>,
        tpu.vector_store %arg9[%swap3A_544, %swap3A_545], %gather3A_498 {strides = array<i32>} : memref<88x256xf32, #tpu.memory_space<vmem>>, vector<16xf32>,
        %swap3A_547 = arith.index_cast %scan3A_484 : i32 to index
        %swap3A_548 = arith.constant 64 : index
        %swap3A_549 = tpu.vector_load %arg9[%swap3A_547, %swap3A_548] {strides = array<i32>} : memref<88x256xf32, #tpu.memory_space<vmem>>, vector<16xf32>,
        tpu.vector_store %arg9[%swap3A_547, %swap3A_548], %gather3A_501 {strides = array<i32>} : memref<88x256xf32, #tpu.memory_space<vmem>>, vector<16xf32>,
        %swap3A_550 = arith.index_cast %scan3A_484 : i32 to index
        %swap3A_551 = arith.constant 80 : index
        %swap3A_552 = tpu.vector_load %arg9[%swap3A_550, %swap3A_551] {strides = array<i32>} : memref<88x256xf32, #tpu.memory_space<vmem>>, vector<16xf32>,
        tpu.vector_store %arg9[%swap3A_550, %swap3A_551], %gather3A_504 {strides = array<i32>} : memref<88x256xf32, #tpu.memory_space<vmem>>, vector<16xf32>,
        %swap3A_553 = arith.index_cast %scan3A_484 : i32 to index
        %swap3A_554 = arith.constant 96 : index
        %swap3A_555 = tpu.vector_load %arg9[%swap3A_553, %swap3A_554] {strides = array<i32>} : memref<88x256xf32, #tpu.memory_space<vmem>>, vector<16xf32>,
        tpu.vector_store %arg9[%swap3A_553, %swap3A_554], %gather3A_507 {strides = array<i32>} : memref<88x256xf32, #tpu.memory_space<vmem>>, vector<16xf32>,
        %swap3A_556 = arith.index_cast %scan3A_484 : i32 to index
        %swap3A_557 = arith.constant 112 : index
        %swap3A_558 = tpu.vector_load %arg9[%swap3A_556, %swap3A_557] {strides = array<i32>} : memref<88x256xf32, #tpu.memory_space<vmem>>, vector<16xf32>,
        tpu.vector_store %arg9[%swap3A_556, %swap3A_557], %gather3A_510 {strides = array<i32>} : memref<88x256xf32, #tpu.memory_space<vmem>>, vector<16xf32>,
        %swap3A_559 = arith.index_cast %scan3A_484 : i32 to index
        %swap3A_560 = arith.constant 128 : index
        %swap3A_561 = tpu.vector_load %arg9[%swap3A_559, %swap3A_560] {strides = array<i32>} : memref<88x256xf32, #tpu.memory_space<vmem>>, vector<16xf32>,
        tpu.vector_store %arg9[%swap3A_559, %swap3A_560], %gather3A_513 {strides = array<i32>} : memref<88x256xf32, #tpu.memory_space<vmem>>, vector<16xf32>,
        %swap3A_562 = arith.index_cast %scan3A_484 : i32 to index
        %swap3A_563 = arith.constant 144 : index
        %swap3A_564 = tpu.vector_load %arg9[%swap3A_562, %swap3A_563] {strides = array<i32>} : memref<88x256xf32, #tpu.memory_space<vmem>>, vector<16xf32>,
        tpu.vector_store %arg9[%swap3A_562, %swap3A_563], %gather3A_516 {strides = array<i32>} : memref<88x256xf32, #tpu.memory_space<vmem>>, vector<16xf32>,
        %swap3A_565 = arith.index_cast %scan3A_484 : i32 to index
        %swap3A_566 = arith.constant 160 : index
        %swap3A_567 = tpu.vector_load %arg9[%swap3A_565, %swap3A_566] {strides = array<i32>} : memref<88x256xf32, #tpu.memory_space<vmem>>, vector<16xf32>,
        tpu.vector_store %arg9[%swap3A_565, %swap3A_566], %gather3A_519 {strides = array<i32>} : memref<88x256xf32, #tpu.memory_space<vmem>>, vector<16xf32>,
        %swap3A_568 = arith.index_cast %scan3A_484 : i32 to index
        %swap3A_569 = arith.constant 176 : index
        %swap3A_570 = tpu.vector_load %arg9[%swap3A_568, %swap3A_569] {strides = array<i32>} : memref<88x256xf32, #tpu.memory_space<vmem>>, vector<16xf32>,
        tpu.vector_store %arg9[%swap3A_568, %swap3A_569], %gather3A_522 {strides = array<i32>} : memref<88x256xf32, #tpu.memory_space<vmem>>, vector<16xf32>,
        %swap3A_571 = arith.index_cast %scan3A_484 : i32 to index
        %swap3A_572 = arith.constant 192 : index
        %swap3A_573 = tpu.vector_load %arg9[%swap3A_571, %swap3A_572] {strides = array<i32>} : memref<88x256xf32, #tpu.memory_space<vmem>>, vector<16xf32>,
        tpu.vector_store %arg9[%swap3A_571, %swap3A_572], %gather3A_525 {strides = array<i32>} : memref<88x256xf32, #tpu.memory_space<vmem>>, vector<16xf32>,
        %swap3A_574 = arith.index_cast %scan3A_484 : i32 to index
        %swap3A_575 = arith.constant 208 : index
        %swap3A_576 = tpu.vector_load %arg9[%swap3A_574, %swap3A_575] {strides = array<i32>} : memref<88x256xf32, #tpu.memory_space<vmem>>, vector<16xf32>,
        tpu.vector_store %arg9[%swap3A_574, %swap3A_575], %gather3A_528 {strides = array<i32>} : memref<88x256xf32, #tpu.memory_space<vmem>>, vector<16xf32>,
        %swap3A_577 = arith.index_cast %scan3A_484 : i32 to index
        %swap3A_578 = arith.constant 224 : index
        %swap3A_579 = tpu.vector_load %arg9[%swap3A_577, %swap3A_578] {strides = array<i32>} : memref<88x256xf32, #tpu.memory_space<vmem>>, vector<16xf32>,
        tpu.vector_store %arg9[%swap3A_577, %swap3A_578], %gather3A_531 {strides = array<i32>} : memref<88x256xf32, #tpu.memory_space<vmem>>, vector<16xf32>,
        %swap3A_580 = arith.index_cast %scan3A_484 : i32 to index
        %swap3A_581 = arith.constant 240 : index
        %swap3A_582 = tpu.vector_load %arg9[%swap3A_580, %swap3A_581] {strides = array<i32>} : memref<88x256xf32, #tpu.memory_space<vmem>>, vector<16xf32>,
        tpu.vector_store %arg9[%swap3A_580, %swap3A_581], %gather3A_534 {strides = array<i32>} : memref<88x256xf32, #tpu.memory_space<vmem>>, vector<16xf32>,
        %scan3A_583 = arith.constant 1 : i32
        %scan3A_584 = arith.addi %scan3A_484, %scan3A_583 : i32
        %mul3A_585 = arith.constant 88 : i32
        %mul3A_586 = arith.muli %scan3A_584, %mul3A_585 : i32
        %add3A_587 = vector.broadcast %mul3A_586 : i32 to vector<16xi32>
        %add3A_588 = arith.addi %add3A_587, %get3A_329 : vector<16xi32>
        %gather3A_589 = tpu.vector_load_idx %arg5[%add3A_588] : memref<7656xf32, #tpu.memory_space<vmem>>[vector<16xi32>], vector<16xf32>,
        %add3A_590 = vector.broadcast %mul3A_586 : i32 to vector<16xi32>
        %add3A_591 = arith.addi %add3A_590, %get3A_331 : vector<16xi32>
        %gather3A_592 = tpu.vector_load_idx %arg5[%add3A_591] : memref<7656xf32, #tpu.memory_space<vmem>>[vector<16xi32>], vector<16xf32>,
        %add3A_593 = vector.broadcast %mul3A_586 : i32 to vector<16xi32>
        %add3A_594 = arith.addi %add3A_593, %get3A_333 : vector<16xi32>
        %gather3A_595 = tpu.vector_load_idx %arg5[%add3A_594] : memref<7656xf32, #tpu.memory_space<vmem>>[vector<16xi32>], vector<16xf32>,
        %add3A_596 = vector.broadcast %mul3A_586 : i32 to vector<16xi32>
        %add3A_597 = arith.addi %add3A_596, %get3A_335 : vector<16xi32>
        %gather3A_598 = tpu.vector_load_idx %arg5[%add3A_597] : memref<7656xf32, #tpu.memory_space<vmem>>[vector<16xi32>], vector<16xf32>,
        %add3A_599 = vector.broadcast %mul3A_586 : i32 to vector<16xi32>
        %add3A_600 = arith.addi %add3A_599, %get3A_337 : vector<16xi32>
        %gather3A_601 = tpu.vector_load_idx %arg5[%add3A_600] : memref<7656xf32, #tpu.memory_space<vmem>>[vector<16xi32>], vector<16xf32>,
        %add3A_602 = vector.broadcast %mul3A_586 : i32 to vector<16xi32>
        %add3A_603 = arith.addi %add3A_602, %get3A_339 : vector<16xi32>
        %gather3A_604 = tpu.vector_load_idx %arg5[%add3A_603] : memref<7656xf32, #tpu.memory_space<vmem>>[vector<16xi32>], vector<16xf32>,
        %add3A_605 = vector.broadcast %mul3A_586 : i32 to vector<16xi32>
        %add3A_606 = arith.addi %add3A_605, %get3A_341 : vector<16xi32>
        %gather3A_607 = tpu.vector_load_idx %arg5[%add3A_606] : memref<7656xf32, #tpu.memory_space<vmem>>[vector<16xi32>], vector<16xf32>,
        %add3A_608 = vector.broadcast %mul3A_586 : i32 to vector<16xi32>
        %add3A_609 = arith.addi %add3A_608, %get3A_343 : vector<16xi32>
        %gather3A_610 = tpu.vector_load_idx %arg5[%add3A_609] : memref<7656xf32, #tpu.memory_space<vmem>>[vector<16xi32>], vector<16xf32>,
        %add3A_611 = vector.broadcast %mul3A_586 : i32 to vector<16xi32>
        %add3A_612 = arith.addi %add3A_611, %get3A_345 : vector<16xi32>
        %gather3A_613 = tpu.vector_load_idx %arg5[%add3A_612] : memref<7656xf32, #tpu.memory_space<vmem>>[vector<16xi32>], vector<16xf32>,
        %add3A_614 = vector.broadcast %mul3A_586 : i32 to vector<16xi32>
        %add3A_615 = arith.addi %add3A_614, %get3A_347 : vector<16xi32>
        %gather3A_616 = tpu.vector_load_idx %arg5[%add3A_615] : memref<7656xf32, #tpu.memory_space<vmem>>[vector<16xi32>], vector<16xf32>,
        %add3A_617 = vector.broadcast %mul3A_586 : i32 to vector<16xi32>
        %add3A_618 = arith.addi %add3A_617, %get3A_349 : vector<16xi32>
        %gather3A_619 = tpu.vector_load_idx %arg5[%add3A_618] : memref<7656xf32, #tpu.memory_space<vmem>>[vector<16xi32>], vector<16xf32>,
        %add3A_620 = vector.broadcast %mul3A_586 : i32 to vector<16xi32>
        %add3A_621 = arith.addi %add3A_620, %get3A_351 : vector<16xi32>
        %gather3A_622 = tpu.vector_load_idx %arg5[%add3A_621] : memref<7656xf32, #tpu.memory_space<vmem>>[vector<16xi32>], vector<16xf32>,
        %add3A_623 = vector.broadcast %mul3A_586 : i32 to vector<16xi32>
        %add3A_624 = arith.addi %add3A_623, %get3A_353 : vector<16xi32>
        %gather3A_625 = tpu.vector_load_idx %arg5[%add3A_624] : memref<7656xf32, #tpu.memory_space<vmem>>[vector<16xi32>], vector<16xf32>,
        %add3A_626 = vector.broadcast %mul3A_586 : i32 to vector<16xi32>
        %add3A_627 = arith.addi %add3A_626, %get3A_355 : vector<16xi32>
        %gather3A_628 = tpu.vector_load_idx %arg5[%add3A_627] : memref<7656xf32, #tpu.memory_space<vmem>>[vector<16xi32>], vector<16xf32>,
        %add3A_629 = vector.broadcast %mul3A_586 : i32 to vector<16xi32>
        %add3A_630 = arith.addi %add3A_629, %get3A_357 : vector<16xi32>
        %gather3A_631 = tpu.vector_load_idx %arg5[%add3A_630] : memref<7656xf32, #tpu.memory_space<vmem>>[vector<16xi32>], vector<16xf32>,
        %add3A_632 = vector.broadcast %mul3A_586 : i32 to vector<16xi32>
        %add3A_633 = arith.addi %add3A_632, %get3A_359 : vector<16xi32>
        %gather3A_634 = tpu.vector_load_idx %arg5[%add3A_633] : memref<7656xf32, #tpu.memory_space<vmem>>[vector<16xi32>], vector<16xf32>,
        %swap3A_635 = arith.index_cast %scan3A_584 : i32 to index
        %swap3A_636 = arith.constant 0 : index
        %swap3A_637 = tpu.vector_load %arg9[%swap3A_635, %swap3A_636] {strides = array<i32>} : memref<88x256xf32, #tpu.memory_space<vmem>>, vector<16xf32>,
        tpu.vector_store %arg9[%swap3A_635, %swap3A_636], %gather3A_589 {strides = array<i32>} : memref<88x256xf32, #tpu.memory_space<vmem>>, vector<16xf32>,
        %swap3A_638 = arith.index_cast %scan3A_584 : i32 to index
        %swap3A_639 = arith.constant 16 : index
        %swap3A_640 = tpu.vector_load %arg9[%swap3A_638, %swap3A_639] {strides = array<i32>} : memref<88x256xf32, #tpu.memory_space<vmem>>, vector<16xf32>,
        tpu.vector_store %arg9[%swap3A_638, %swap3A_639], %gather3A_592 {strides = array<i32>} : memref<88x256xf32, #tpu.memory_space<vmem>>, vector<16xf32>,
        %swap3A_641 = arith.index_cast %scan3A_584 : i32 to index
        %swap3A_642 = arith.constant 32 : index
        %swap3A_643 = tpu.vector_load %arg9[%swap3A_641, %swap3A_642] {strides = array<i32>} : memref<88x256xf32, #tpu.memory_space<vmem>>, vector<16xf32>,
        tpu.vector_store %arg9[%swap3A_641, %swap3A_642], %gather3A_595 {strides = array<i32>} : memref<88x256xf32, #tpu.memory_space<vmem>>, vector<16xf32>,
        %swap3A_644 = arith.index_cast %scan3A_584 : i32 to index
        %swap3A_645 = arith.constant 48 : index
        %swap3A_646 = tpu.vector_load %arg9[%swap3A_644, %swap3A_645] {strides = array<i32>} : memref<88x256xf32, #tpu.memory_space<vmem>>, vector<16xf32>,
        tpu.vector_store %arg9[%swap3A_644, %swap3A_645], %gather3A_598 {strides = array<i32>} : memref<88x256xf32, #tpu.memory_space<vmem>>, vector<16xf32>,
        %swap3A_647 = arith.index_cast %scan3A_584 : i32 to index
        %swap3A_648 = arith.constant 64 : index
        %swap3A_649 = tpu.vector_load %arg9[%swap3A_647, %swap3A_648] {strides = array<i32>} : memref<88x256xf32, #tpu.memory_space<vmem>>, vector<16xf32>,
        tpu.vector_store %arg9[%swap3A_647, %swap3A_648], %gather3A_601 {strides = array<i32>} : memref<88x256xf32, #tpu.memory_space<vmem>>, vector<16xf32>,
        %swap3A_650 = arith.index_cast %scan3A_584 : i32 to index
        %swap3A_651 = arith.constant 80 : index
        %swap3A_652 = tpu.vector_load %arg9[%swap3A_650, %swap3A_651] {strides = array<i32>} : memref<88x256xf32, #tpu.memory_space<vmem>>, vector<16xf32>,
        tpu.vector_store %arg9[%swap3A_650, %swap3A_651], %gather3A_604 {strides = array<i32>} : memref<88x256xf32, #tpu.memory_space<vmem>>, vector<16xf32>,
        %swap3A_653 = arith.index_cast %scan3A_584 : i32 to index
        %swap3A_654 = arith.constant 96 : index
        %swap3A_655 = tpu.vector_load %arg9[%swap3A_653, %swap3A_654] {strides = array<i32>} : memref<88x256xf32, #tpu.memory_space<vmem>>, vector<16xf32>,
        tpu.vector_store %arg9[%swap3A_653, %swap3A_654], %gather3A_607 {strides = array<i32>} : memref<88x256xf32, #tpu.memory_space<vmem>>, vector<16xf32>,
        %swap3A_656 = arith.index_cast %scan3A_584 : i32 to index
        %swap3A_657 = arith.constant 112 : index
        %swap3A_658 = tpu.vector_load %arg9[%swap3A_656, %swap3A_657] {strides = array<i32>} : memref<88x256xf32, #tpu.memory_space<vmem>>, vector<16xf32>,
        tpu.vector_store %arg9[%swap3A_656, %swap3A_657], %gather3A_610 {strides = array<i32>} : memref<88x256xf32, #tpu.memory_space<vmem>>, vector<16xf32>,
        %swap3A_659 = arith.index_cast %scan3A_584 : i32 to index
        %swap3A_660 = arith.constant 128 : index
        %swap3A_661 = tpu.vector_load %arg9[%swap3A_659, %swap3A_660] {strides = array<i32>} : memref<88x256xf32, #tpu.memory_space<vmem>>, vector<16xf32>,
        tpu.vector_store %arg9[%swap3A_659, %swap3A_660], %gather3A_613 {strides = array<i32>} : memref<88x256xf32, #tpu.memory_space<vmem>>, vector<16xf32>,
        %swap3A_662 = arith.index_cast %scan3A_584 : i32 to index
        %swap3A_663 = arith.constant 144 : index
        %swap3A_664 = tpu.vector_load %arg9[%swap3A_662, %swap3A_663] {strides = array<i32>} : memref<88x256xf32, #tpu.memory_space<vmem>>, vector<16xf32>,
        tpu.vector_store %arg9[%swap3A_662, %swap3A_663], %gather3A_616 {strides = array<i32>} : memref<88x256xf32, #tpu.memory_space<vmem>>, vector<16xf32>,
        %swap3A_665 = arith.index_cast %scan3A_584 : i32 to index
        %swap3A_666 = arith.constant 160 : index
        %swap3A_667 = tpu.vector_load %arg9[%swap3A_665, %swap3A_666] {strides = array<i32>} : memref<88x256xf32, #tpu.memory_space<vmem>>, vector<16xf32>,
        tpu.vector_store %arg9[%swap3A_665, %swap3A_666], %gather3A_619 {strides = array<i32>} : memref<88x256xf32, #tpu.memory_space<vmem>>, vector<16xf32>,
        %swap3A_668 = arith.index_cast %scan3A_584 : i32 to index
        %swap3A_669 = arith.constant 176 : index
        %swap3A_670 = tpu.vector_load %arg9[%swap3A_668, %swap3A_669] {strides = array<i32>} : memref<88x256xf32, #tpu.memory_space<vmem>>, vector<16xf32>,
        tpu.vector_store %arg9[%swap3A_668, %swap3A_669], %gather3A_622 {strides = array<i32>} : memref<88x256xf32, #tpu.memory_space<vmem>>, vector<16xf32>,
        %swap3A_671 = arith.index_cast %scan3A_584 : i32 to index
        %swap3A_672 = arith.constant 192 : index
        %swap3A_673 = tpu.vector_load %arg9[%swap3A_671, %swap3A_672] {strides = array<i32>} : memref<88x256xf32, #tpu.memory_space<vmem>>, vector<16xf32>,
        tpu.vector_store %arg9[%swap3A_671, %swap3A_672], %gather3A_625 {strides = array<i32>} : memref<88x256xf32, #tpu.memory_space<vmem>>, vector<16xf32>,
        %swap3A_674 = arith.index_cast %scan3A_584 : i32 to index
        %swap3A_675 = arith.constant 208 : index
        %swap3A_676 = tpu.vector_load %arg9[%swap3A_674, %swap3A_675] {strides = array<i32>} : memref<88x256xf32, #tpu.memory_space<vmem>>, vector<16xf32>,
        tpu.vector_store %arg9[%swap3A_674, %swap3A_675], %gather3A_628 {strides = array<i32>} : memref<88x256xf32, #tpu.memory_space<vmem>>, vector<16xf32>,
        %swap3A_677 = arith.index_cast %scan3A_584 : i32 to index
        %swap3A_678 = arith.constant 224 : index
        %swap3A_679 = tpu.vector_load %arg9[%swap3A_677, %swap3A_678] {strides = array<i32>} : memref<88x256xf32, #tpu.memory_space<vmem>>, vector<16xf32>,
        tpu.vector_store %arg9[%swap3A_677, %swap3A_678], %gather3A_631 {strides = array<i32>} : memref<88x256xf32, #tpu.memory_space<vmem>>, vector<16xf32>,
        %swap3A_680 = arith.index_cast %scan3A_584 : i32 to index
        %swap3A_681 = arith.constant 240 : index
        %swap3A_682 = tpu.vector_load %arg9[%swap3A_680, %swap3A_681] {strides = array<i32>} : memref<88x256xf32, #tpu.memory_space<vmem>>, vector<16xf32>,
        tpu.vector_store %arg9[%swap3A_680, %swap3A_681], %gather3A_634 {strides = array<i32>} : memref<88x256xf32, #tpu.memory_space<vmem>>, vector<16xf32>,
      }
      %scan3A_365 = arith.constant 86 : i32
      %scan3A_366 = arith.addi %scan3A_361, %scan3A_365 : i32
      %mul3A_367 = arith.constant 88 : i32
      %mul3A_368 = arith.muli %scan3A_366, %mul3A_367 : i32
      %add3A_369 = vector.broadcast %mul3A_368 : i32 to vector<16xi32>
      %add3A_370 = arith.addi %add3A_369, %get3A_329 : vector<16xi32>
      %gather3A_371 = tpu.vector_load_idx %arg5[%add3A_370] : memref<7656xf32, #tpu.memory_space<vmem>>[vector<16xi32>], vector<16xf32>,
      %add3A_372 = vector.broadcast %mul3A_368 : i32 to vector<16xi32>
      %add3A_373 = arith.addi %add3A_372, %get3A_331 : vector<16xi32>
      %gather3A_374 = tpu.vector_load_idx %arg5[%add3A_373] : memref<7656xf32, #tpu.memory_space<vmem>>[vector<16xi32>], vector<16xf32>,
      %add3A_375 = vector.broadcast %mul3A_368 : i32 to vector<16xi32>
      %add3A_376 = arith.addi %add3A_375, %get3A_333 : vector<16xi32>
      %gather3A_377 = tpu.vector_load_idx %arg5[%add3A_376] : memref<7656xf32, #tpu.memory_space<vmem>>[vector<16xi32>], vector<16xf32>,
      %add3A_378 = vector.broadcast %mul3A_368 : i32 to vector<16xi32>
      %add3A_379 = arith.addi %add3A_378, %get3A_335 : vector<16xi32>
      %gather3A_380 = tpu.vector_load_idx %arg5[%add3A_379] : memref<7656xf32, #tpu.memory_space<vmem>>[vector<16xi32>], vector<16xf32>,
      %add3A_381 = vector.broadcast %mul3A_368 : i32 to vector<16xi32>
      %add3A_382 = arith.addi %add3A_381, %get3A_337 : vector<16xi32>
      %gather3A_383 = tpu.vector_load_idx %arg5[%add3A_382] : memref<7656xf32, #tpu.memory_space<vmem>>[vector<16xi32>], vector<16xf32>,
      %add3A_384 = vector.broadcast %mul3A_368 : i32 to vector<16xi32>
      %add3A_385 = arith.addi %add3A_384, %get3A_339 : vector<16xi32>
      %gather3A_386 = tpu.vector_load_idx %arg5[%add3A_385] : memref<7656xf32, #tpu.memory_space<vmem>>[vector<16xi32>], vector<16xf32>,
      %add3A_387 = vector.broadcast %mul3A_368 : i32 to vector<16xi32>
      %add3A_388 = arith.addi %add3A_387, %get3A_341 : vector<16xi32>
      %gather3A_389 = tpu.vector_load_idx %arg5[%add3A_388] : memref<7656xf32, #tpu.memory_space<vmem>>[vector<16xi32>], vector<16xf32>,
      %add3A_390 = vector.broadcast %mul3A_368 : i32 to vector<16xi32>
      %add3A_391 = arith.addi %add3A_390, %get3A_343 : vector<16xi32>
      %gather3A_392 = tpu.vector_load_idx %arg5[%add3A_391] : memref<7656xf32, #tpu.memory_space<vmem>>[vector<16xi32>], vector<16xf32>,
      %add3A_393 = vector.broadcast %mul3A_368 : i32 to vector<16xi32>
      %add3A_394 = arith.addi %add3A_393, %get3A_345 : vector<16xi32>
      %gather3A_395 = tpu.vector_load_idx %arg5[%add3A_394] : memref<7656xf32, #tpu.memory_space<vmem>>[vector<16xi32>], vector<16xf32>,
      %add3A_396 = vector.broadcast %mul3A_368 : i32 to vector<16xi32>
      %add3A_397 = arith.addi %add3A_396, %get3A_347 : vector<16xi32>
      %gather3A_398 = tpu.vector_load_idx %arg5[%add3A_397] : memref<7656xf32, #tpu.memory_space<vmem>>[vector<16xi32>], vector<16xf32>,
      %add3A_399 = vector.broadcast %mul3A_368 : i32 to vector<16xi32>
      %add3A_400 = arith.addi %add3A_399, %get3A_349 : vector<16xi32>
      %gather3A_401 = tpu.vector_load_idx %arg5[%add3A_400] : memref<7656xf32, #tpu.memory_space<vmem>>[vector<16xi32>], vector<16xf32>,
      %add3A_402 = vector.broadcast %mul3A_368 : i32 to vector<16xi32>
      %add3A_403 = arith.addi %add3A_402, %get3A_351 : vector<16xi32>
      %gather3A_404 = tpu.vector_load_idx %arg5[%add3A_403] : memref<7656xf32, #tpu.memory_space<vmem>>[vector<16xi32>], vector<16xf32>,
      %add3A_405 = vector.broadcast %mul3A_368 : i32 to vector<16xi32>
      %add3A_406 = arith.addi %add3A_405, %get3A_353 : vector<16xi32>
      %gather3A_407 = tpu.vector_load_idx %arg5[%add3A_406] : memref<7656xf32, #tpu.memory_space<vmem>>[vector<16xi32>], vector<16xf32>,
      %add3A_408 = vector.broadcast %mul3A_368 : i32 to vector<16xi32>
      %add3A_409 = arith.addi %add3A_408, %get3A_355 : vector<16xi32>
      %gather3A_410 = tpu.vector_load_idx %arg5[%add3A_409] : memref<7656xf32, #tpu.memory_space<vmem>>[vector<16xi32>], vector<16xf32>,
      %add3A_411 = vector.broadcast %mul3A_368 : i32 to vector<16xi32>
      %add3A_412 = arith.addi %add3A_411, %get3A_357 : vector<16xi32>
      %gather3A_413 = tpu.vector_load_idx %arg5[%add3A_412] : memref<7656xf32, #tpu.memory_space<vmem>>[vector<16xi32>], vector<16xf32>,
      %add3A_414 = vector.broadcast %mul3A_368 : i32 to vector<16xi32>
      %add3A_415 = arith.addi %add3A_414, %get3A_359 : vector<16xi32>
      %gather3A_416 = tpu.vector_load_idx %arg5[%add3A_415] : memref<7656xf32, #tpu.memory_space<vmem>>[vector<16xi32>], vector<16xf32>,
      %swap3A_417 = arith.index_cast %scan3A_366 : i32 to index
      %swap3A_418 = arith.constant 0 : index
      %swap3A_419 = tpu.vector_load %arg9[%swap3A_417, %swap3A_418] {strides = array<i32>} : memref<88x256xf32, #tpu.memory_space<vmem>>, vector<16xf32>,
      tpu.vector_store %arg9[%swap3A_417, %swap3A_418], %gather3A_371 {strides = array<i32>} : memref<88x256xf32, #tpu.memory_space<vmem>>, vector<16xf32>,
      %swap3A_420 = arith.index_cast %scan3A_366 : i32 to index
      %swap3A_421 = arith.constant 16 : index
      %swap3A_422 = tpu.vector_load %arg9[%swap3A_420, %swap3A_421] {strides = array<i32>} : memref<88x256xf32, #tpu.memory_space<vmem>>, vector<16xf32>,
      tpu.vector_store %arg9[%swap3A_420, %swap3A_421], %gather3A_374 {strides = array<i32>} : memref<88x256xf32, #tpu.memory_space<vmem>>, vector<16xf32>,
      %swap3A_423 = arith.index_cast %scan3A_366 : i32 to index
      %swap3A_424 = arith.constant 32 : index
      %swap3A_425 = tpu.vector_load %arg9[%swap3A_423, %swap3A_424] {strides = array<i32>} : memref<88x256xf32, #tpu.memory_space<vmem>>, vector<16xf32>,
      tpu.vector_store %arg9[%swap3A_423, %swap3A_424], %gather3A_377 {strides = array<i32>} : memref<88x256xf32, #tpu.memory_space<vmem>>, vector<16xf32>,
      %swap3A_426 = arith.index_cast %scan3A_366 : i32 to index
      %swap3A_427 = arith.constant 48 : index
      %swap3A_428 = tpu.vector_load %arg9[%swap3A_426, %swap3A_427] {strides = array<i32>} : memref<88x256xf32, #tpu.memory_space<vmem>>, vector<16xf32>,
      tpu.vector_store %arg9[%swap3A_426, %swap3A_427], %gather3A_380 {strides = array<i32>} : memref<88x256xf32, #tpu.memory_space<vmem>>, vector<16xf32>,
      %swap3A_429 = arith.index_cast %scan3A_366 : i32 to index
      %swap3A_430 = arith.constant 64 : index
      %swap3A_431 = tpu.vector_load %arg9[%swap3A_429, %swap3A_430] {strides = array<i32>} : memref<88x256xf32, #tpu.memory_space<vmem>>, vector<16xf32>,
      tpu.vector_store %arg9[%swap3A_429, %swap3A_430], %gather3A_383 {strides = array<i32>} : memref<88x256xf32, #tpu.memory_space<vmem>>, vector<16xf32>,
      %swap3A_432 = arith.index_cast %scan3A_366 : i32 to index
      %swap3A_433 = arith.constant 80 : index
      %swap3A_434 = tpu.vector_load %arg9[%swap3A_432, %swap3A_433] {strides = array<i32>} : memref<88x256xf32, #tpu.memory_space<vmem>>, vector<16xf32>,
      tpu.vector_store %arg9[%swap3A_432, %swap3A_433], %gather3A_386 {strides = array<i32>} : memref<88x256xf32, #tpu.memory_space<vmem>>, vector<16xf32>,
      %swap3A_435 = arith.index_cast %scan3A_366 : i32 to index
      %swap3A_436 = arith.constant 96 : index
      %swap3A_437 = tpu.vector_load %arg9[%swap3A_435, %swap3A_436] {strides = array<i32>} : memref<88x256xf32, #tpu.memory_space<vmem>>, vector<16xf32>,
      tpu.vector_store %arg9[%swap3A_435, %swap3A_436], %gather3A_389 {strides = array<i32>} : memref<88x256xf32, #tpu.memory_space<vmem>>, vector<16xf32>,
      %swap3A_438 = arith.index_cast %scan3A_366 : i32 to index
      %swap3A_439 = arith.constant 112 : index
      %swap3A_440 = tpu.vector_load %arg9[%swap3A_438, %swap3A_439] {strides = array<i32>} : memref<88x256xf32, #tpu.memory_space<vmem>>, vector<16xf32>,
      tpu.vector_store %arg9[%swap3A_438, %swap3A_439], %gather3A_392 {strides = array<i32>} : memref<88x256xf32, #tpu.memory_space<vmem>>, vector<16xf32>,
      %swap3A_441 = arith.index_cast %scan3A_366 : i32 to index
      %swap3A_442 = arith.constant 128 : index
      %swap3A_443 = tpu.vector_load %arg9[%swap3A_441, %swap3A_442] {strides = array<i32>} : memref<88x256xf32, #tpu.memory_space<vmem>>, vector<16xf32>,
      tpu.vector_store %arg9[%swap3A_441, %swap3A_442], %gather3A_395 {strides = array<i32>} : memref<88x256xf32, #tpu.memory_space<vmem>>, vector<16xf32>,
      %swap3A_444 = arith.index_cast %scan3A_366 : i32 to index
      %swap3A_445 = arith.constant 144 : index
      %swap3A_446 = tpu.vector_load %arg9[%swap3A_444, %swap3A_445] {strides = array<i32>} : memref<88x256xf32, #tpu.memory_space<vmem>>, vector<16xf32>,
      tpu.vector_store %arg9[%swap3A_444, %swap3A_445], %gather3A_398 {strides = array<i32>} : memref<88x256xf32, #tpu.memory_space<vmem>>, vector<16xf32>,
      %swap3A_447 = arith.index_cast %scan3A_366 : i32 to index
      %swap3A_448 = arith.constant 160 : index
      %swap3A_449 = tpu.vector_load %arg9[%swap3A_447, %swap3A_448] {strides = array<i32>} : memref<88x256xf32, #tpu.memory_space<vmem>>, vector<16xf32>,
      tpu.vector_store %arg9[%swap3A_447, %swap3A_448], %gather3A_401 {strides = array<i32>} : memref<88x256xf32, #tpu.memory_space<vmem>>, vector<16xf32>,
      %swap3A_450 = arith.index_cast %scan3A_366 : i32 to index
      %swap3A_451 = arith.constant 176 : index
      %swap3A_452 = tpu.vector_load %arg9[%swap3A_450, %swap3A_451] {strides = array<i32>} : memref<88x256xf32, #tpu.memory_space<vmem>>, vector<16xf32>,
      tpu.vector_store %arg9[%swap3A_450, %swap3A_451], %gather3A_404 {strides = array<i32>} : memref<88x256xf32, #tpu.memory_space<vmem>>, vector<16xf32>,
      %swap3A_453 = arith.index_cast %scan3A_366 : i32 to index
      %swap3A_454 = arith.constant 192 : index
      %swap3A_455 = tpu.vector_load %arg9[%swap3A_453, %swap3A_454] {strides = array<i32>} : memref<88x256xf32, #tpu.memory_space<vmem>>, vector<16xf32>,
      tpu.vector_store %arg9[%swap3A_453, %swap3A_454], %gather3A_407 {strides = array<i32>} : memref<88x256xf32, #tpu.memory_space<vmem>>, vector<16xf32>,
      %swap3A_456 = arith.index_cast %scan3A_366 : i32 to index
      %swap3A_457 = arith.constant 208 : index
      %swap3A_458 = tpu.vector_load %arg9[%swap3A_456, %swap3A_457] {strides = array<i32>} : memref<88x256xf32, #tpu.memory_space<vmem>>, vector<16xf32>,
      tpu.vector_store %arg9[%swap3A_456, %swap3A_457], %gather3A_410 {strides = array<i32>} : memref<88x256xf32, #tpu.memory_space<vmem>>, vector<16xf32>,
      %swap3A_459 = arith.index_cast %scan3A_366 : i32 to index
      %swap3A_460 = arith.constant 224 : index
      %swap3A_461 = tpu.vector_load %arg9[%swap3A_459, %swap3A_460] {strides = array<i32>} : memref<88x256xf32, #tpu.memory_space<vmem>>, vector<16xf32>,
      tpu.vector_store %arg9[%swap3A_459, %swap3A_460], %gather3A_413 {strides = array<i32>} : memref<88x256xf32, #tpu.memory_space<vmem>>, vector<16xf32>,
      %swap3A_462 = arith.index_cast %scan3A_366 : i32 to index
      %swap3A_463 = arith.constant 240 : index
      %swap3A_464 = tpu.vector_load %arg9[%swap3A_462, %swap3A_463] {strides = array<i32>} : memref<88x256xf32, #tpu.memory_space<vmem>>, vector<16xf32>,
      tpu.vector_store %arg9[%swap3A_462, %swap3A_463], %gather3A_416 {strides = array<i32>} : memref<88x256xf32, #tpu.memory_space<vmem>>, vector<16xf32>,
      %scan3A_465 = arith.constant 87 : i32
      %mul3A_466 = arith.constant 2 : i32
      %mul3A_467 = arith.muli %mul3A_466, %scan3A_157 : i32
      %add3A_468 = arith.constant 1 : i32
      %add3A_469 = arith.addi %mul3A_467, %add3A_468 : i32
      %mul3A_470 = arith.constant 256 : i32
      %mul3A_471 = arith.muli %add3A_469, %mul3A_470 : i32
      %add3A_472 = arith.addi %mul3A_2, %mul3A_471 : i32
      %dma_start3A_473 = arith.constant 0 : i32
      %dma_start3A_474 = tpu.memref_slice %arg4[%dma_start3A_473, %add3A_472] : memref<366x262144xf32, #tpu.memory_space<hbm>> -> memref<88x256xf32, #tpu.memory_space<hbm>>
      %dma_start3A_475 = arith.constant 0 : i32
      %dma_start3A_476 = tpu.memref_slice %arg4[%dma_start3A_475, %add3A_472] : memref<366x262144xf32, #tpu.memory_space<hbm>> -> memref<88x256xf32, #tpu.memory_space<hbm>>
      tpu.enqueue_dma source(%arg9 : memref<88x256xf32, #tpu.memory_space<vmem>>) target(%dma_start3A_476 : memref<88x256xf32, #tpu.memory_space<hbm>>) target_semaphore(%arg12 : memref<!tpu.dma_semaphore, #tpu.memory_space<semaphore_mem>>)
      %mul3A_477 = arith.constant 256 : i32
      %mul3A_478 = arith.muli %add3A_469, %mul3A_477 : i32
      %add3A_479 = arith.addi %mul3A_2, %mul3A_478 : i32
      %dma_start3A_480 = arith.constant 88 : i32
      %dma_start3A_481 = tpu.memref_slice %arg4[%dma_start3A_480, %add3A_479] : memref<366x262144xf32, #tpu.memory_space<hbm>> -> memref<278x256xf32, #tpu.memory_space<hbm>>
      %dma_start3A_482 = arith.constant 88 : i32
      %dma_start3A_483 = tpu.memref_slice %arg4[%dma_start3A_482, %add3A_479] : memref<366x262144xf32, #tpu.memory_space<hbm>> -> memref<278x256xf32, #tpu.memory_space<hbm>>
      tpu.enqueue_dma source(%arg10 : memref<278x256xf32, #tpu.memory_space<vmem>>) target(%dma_start3A_483 : memref<278x256xf32, #tpu.memory_space<hbm>>) target_semaphore(%arg14 : memref<!tpu.dma_semaphore, #tpu.memory_space<semaphore_mem>>)
    }
    %scan3A_141 = arith.constant 16 : i32
    %dma_wait3A = arith.constant 0 : i32
    %dma_wait3A_142 = tpu.memref_slice %arg4[%dma_wait3A, %mul3A_2] : memref<366x262144xf32, #tpu.memory_space<hbm>> -> memref<88x256xf32, #tpu.memory_space<hbm>>
    %dma_wait3A_143 = arith.constant 0 : i32
    %dma_wait3A_144 = tpu.memref_slice %arg4[%dma_wait3A_143, %mul3A_2] : memref<366x262144xf32, #tpu.memory_space<hbm>> -> memref<88x256xf32, #tpu.memory_space<hbm>>
    tpu.wait_dma2 semaphore(%arg11 : memref<!tpu.dma_semaphore, #tpu.memory_space<semaphore_mem>>) src(%arg8 : memref<88x256xf32, #tpu.memory_space<vmem>>) dst(%dma_wait3A_144 : memref<88x256xf32, #tpu.memory_space<hbm>>)
    %dma_wait3A_145 = arith.constant 88 : i32
    %dma_wait3A_146 = tpu.memref_slice %arg4[%dma_wait3A_145, %mul3A_2] : memref<366x262144xf32, #tpu.memory_space<hbm>> -> memref<278x256xf32, #tpu.memory_space<hbm>>
    %dma_wait3A_147 = arith.constant 88 : i32
    %dma_wait3A_148 = tpu.memref_slice %arg4[%dma_wait3A_147, %mul3A_2] : memref<366x262144xf32, #tpu.memory_space<hbm>> -> memref<278x256xf32, #tpu.memory_space<hbm>>
    tpu.wait_dma2 semaphore(%arg13 : memref<!tpu.dma_semaphore, #tpu.memory_space<semaphore_mem>>) src(%arg10 : memref<278x256xf32, #tpu.memory_space<vmem>>) dst(%dma_wait3A_148 : memref<278x256xf32, #tpu.memory_space<hbm>>)
    %dma_wait3A_149 = arith.constant 0 : i32
    %dma_wait3A_150 = tpu.memref_slice %arg4[%dma_wait3A_149, %mul3A_2] : memref<366x262144xf32, #tpu.memory_space<hbm>> -> memref<88x256xf32, #tpu.memory_space<hbm>>
    %dma_wait3A_151 = arith.constant 0 : i32
    %dma_wait3A_152 = tpu.memref_slice %arg4[%dma_wait3A_151, %mul3A_2] : memref<366x262144xf32, #tpu.memory_space<hbm>> -> memref<88x256xf32, #tpu.memory_space<hbm>>
    tpu.wait_dma2 semaphore(%arg12 : memref<!tpu.dma_semaphore, #tpu.memory_space<semaphore_mem>>) src(%arg9 : memref<88x256xf32, #tpu.memory_space<vmem>>) dst(%dma_wait3A_152 : memref<88x256xf32, #tpu.memory_space<hbm>>)
    %dma_wait3A_153 = arith.constant 88 : i32
    %dma_wait3A_154 = tpu.memref_slice %arg4[%dma_wait3A_153, %mul3A_2] : memref<366x262144xf32, #tpu.memory_space<hbm>> -> memref<278x256xf32, #tpu.memory_space<hbm>>
    %dma_wait3A_155 = arith.constant 88 : i32
    %dma_wait3A_156 = tpu.memref_slice %arg4[%dma_wait3A_155, %mul3A_2] : memref<366x262144xf32, #tpu.memory_space<hbm>> -> memref<278x256xf32, #tpu.memory_space<hbm>>
    tpu.wait_dma2 semaphore(%arg14 : memref<!tpu.dma_semaphore, #tpu.memory_space<semaphore_mem>>) src(%arg10 : memref<278x256xf32, #tpu.memory_space<vmem>>) dst(%dma_wait3A_156 : memref<278x256xf32, #tpu.memory_space<hbm>>)
    return
  }
}

</mosaic_0001>

<sc_bundles>
// kernel: kernel.3.cloned.1.call-start
scs
__scs_entry_jumppad:
0x0: {  	(pc) =	sbr.rel $0x88, $3  }
0x1: {  	(tag) =	ssettag $0x0;
	lr =	simm.s32 $0x1  }
0x2: {  	[smem:$0x3F9F] =	sst lr;
	_ =	strace $0xD0000000  }
0x3: {  	_ = 	snop  }
0x4: {  	_ = 	snop  }
0x5: {  	_ = 	snop  }
0x6: {  	_ = 	snop  }
0x7: {  	_ = 	snop  }
__scs_overlays_trampoline_lowered:
0x8: {  	[smem:$0x3FAE] =	sst s0  }
0x9: {  	[smem:$0x3FAF] =	sst s1  }
0xa: {  	[smem:$0x3FB0] =	sst s2  }
0xb: {  	[smem:$0x3FB1] =	sst s3  }
0xc: {  	[smem:$0x3FB2] =	sst s4  }
0xd: {  	[smem:$0x3FB3] =	sst s5  }
0xe: {  	[smem:$0x3FB4] =	sst s6  }
0xf: {  	[smem:$0x3FB5] =	sst s7  }
0x10: {  	[smem:$0x3FB6] =	sst s8  }
0x11: {  	[smem:$0x3FB7] =	sst s9;
	s0 =	simm.s32 @!p0 $0x0  }
0x12: {  	s1 =	sld [smem:$0x3F9D];
	s0 =	simm.s32 @p0 $0x1  }
0x13: {  	[smem:$0x3FB8] =	sst s0;
	s0 =	simm.s32 @!p1 $0x0  }
0x14: {  	s2 =	sld [smem:$0x3F9C];
	s0 =	simm.s32 @p1 $0x1  }
0x15: {  	[smem:$0x3FB9] =	sst s0;
	s0 =	simm.s32 @!p2 $0x0  }
0x16: {  	s3 =	sld [smem:$0x3FDB];
	s0 =	simm.s32 @p2 $0x1  }
0x17: {  	s4 =	simm.s32 $0x1BF5;
	[smem:$0x3FBB] =	sst s0  }
0x18: {  	s0 =	sld [smem:$0x3F9E];
	_ =	swait.ge [sflag:s4], $0x0  }
0x19: {  	s7 =	sld [smem:$0x3F9F]  }
0x1a: {  	s8 =	sadd.s32 $0xFFFFE003, lr  }
0x1b: {  	s9 =	sadd.s32 $0xFFFFFEF7, lr;
	s5 =	simm.s32 $0xFFFFFFFF;
	p2 =	slt.u32 s8, $0xFFFFF086  }
0x1c: {  	p1 =	slt.u32 s9, $0xF7A;
	s5 =	simm.s32 @!p2 $0x0  }
0x1d: {  	s5 =	simm.s32 @p1 $0x1;
	p0 =	seq.s32 s7, s2  }
0x1e: {  	s7 =	smul.u32 @!p0 $0xF7A, s2;
	p2 =	seq.s32 @!p0 s5, $0x0  }
0x1f: {  	s9 =	smul.u32 $0xF7A, s1;
	s8 =	simm.s32 @!p0 $0x1BF5;
	p2 =	por !p2, p0  }
0x20: {  	[sflag:s8] =	ssyncset.s32 @!p0 $0xFFFFF086;
	s6 =	sadd.s32 @!p0 s3, s7;
	s7 =	simm.s32 @!p0 $0x108  }
0x21: {  	s3 =	sadd.s32 s3, s9;
	s6 =	sadd.s32 @!p0 $0x88, s6;
	s7 =	simm.s32 @p2 $0x1082  }
0x22: {  	[simem:s7], [sflag:s8] =	dma.local @!p0 [hbm:s6], $0xF7A  }
0x23: {  	s9 =	sor.u32 $0xD0000000, s2;
	s6 =	simm.s32 $0x108;
	_ =	swait.ge @!p0 [sflag:s8], $0x0  }
0x24: {  	s3 =	sadd.s32 $0x88, s3;
	s6 =	simm.s32 @!p1 $0x1082;
	[sflag:s4] =	ssyncset.s32 $0xFFFFF086  }
0x25: {  	[simem:s6], [sflag:s4] =	dma.local [hbm:s3], $0xF7A  }
0x26: {  	[smem:$0x3F9F] =	sst s1;
	(tag) =	ssettag s2;
	_ =	strace s9  }
0x27: {  	s1 =	sld [smem:$0x3FAF]  }
0x28: {  	s2 =	sld [smem:$0x3FB0]  }
0x29: {  	s4 =	sld [smem:$0x3FB2]  }
0x2a: {  	p0 =	seq.s32 s5, $0x0;
	s5 =	sld [smem:$0x3FB3]  }
0x2b: {  	s6 =	sld [smem:$0x3FB4]  }
0x2c: {  	s7 =	sld [smem:$0x3FB5]  }
0x2d: {  	s3 =	simm.s32 $0x108;
	s8 =	sld [smem:$0x3FB6]  }
0x2e: {  	s3 =	simm.s32 @!p0 $0x1082;
	s9 =	sld [smem:$0x3FB7]  }
0x2f: {  	lr =	sadd.s32 s0, s3;
	s0 =	sld [smem:$0x3FAE]  }
0x30: {  	s3 =	sld [smem:$0x3FB1]  }
0x31: {  	[smem:$0x3FBA] =	sst s10  }
0x32: {  	s10 =	sld [smem:$0x3FB8];
	_ =	sdelay $0x3  }
0x33: {  	p0 =	seq.s32 s10, $0x1;
	s10 =	sld [smem:$0x3FBA];
	_ =	sdelay $0x3  }
0x34: {  	[smem:$0x3FBA] =	sst s10  }
0x35: {  	s10 =	sld [smem:$0x3FB9];
	_ =	sdelay $0x3  }
0x36: {  	p1 =	seq.s32 s10, $0x1;
	s10 =	sld [smem:$0x3FBA];
	_ =	sdelay $0x3  }
0x37: {  	[smem:$0x3FBA] =	sst s10  }
0x38: {  	s10 =	sld [smem:$0x3FBB]  }
0x39: {  	_ = 	snop;
	(pc) =	sbr.ind lr, $3  }
0x3a: {  	_ = 	snop  }
0x3b: {  	_ = 	snop  }
0x3c: {  	p2 =	seq.s32 s10, $0x1;
	s10 =	sld [smem:$0x3FBA]  }
0x3d: {  	_ =	shalt  }
0x3e: {  	_ =	shalt  }
0x3f: {  	_ =	shalt  }
0x40: {  	_ =	shalt  }
0x41: {  	_ =	shalt  }
0x42: {  	_ =	shalt  }
0x43: {  	_ =	shalt  }
0x44: {  	_ =	shalt  }
0x45: {  	_ =	shalt  }
0x46: {  	_ =	shalt  }
0x47: {  	_ =	shalt  }
0x48: {  	_ =	shalt  }
0x49: {  	_ =	shalt  }
0x4a: {  	_ =	shalt  }
0x4b: {  	_ =	shalt  }
0x4c: {  	_ =	shalt  }
0x4d: {  	_ =	shalt  }
0x4e: {  	_ =	shalt  }
0x4f: {  	_ =	shalt  }
0x50: {  	_ =	shalt  }
0x51: {  	_ =	shalt  }
0x52: {  	_ =	shalt  }
0x53: {  	_ =	shalt  }
0x54: {  	_ =	shalt  }
0x55: {  	_ =	shalt  }
0x56: {  	_ =	shalt  }
0x57: {  	_ =	shalt  }
0x58: {  	_ =	shalt  }
0x59: {  	_ =	shalt  }
0x5a: {  	_ =	shalt  }
0x5b: {  	_ =	shalt  }
0x5c: {  	_ =	shalt  }
0x5d: {  	_ =	shalt  }
0x5e: {  	_ =	shalt  }
0x5f: {  	_ =	shalt  }
0x60: {  	_ =	shalt  }
0x61: {  	_ =	shalt  }
0x62: {  	_ =	shalt  }
0x63: {  	_ =	shalt  }
0x64: {  	_ =	shalt  }
0x65: {  	_ =	shalt  }
0x66: {  	_ =	shalt  }
0x67: {  	_ =	shalt  }
0x68: {  	_ =	shalt  }
0x69: {  	_ =	shalt  }
0x6a: {  	_ =	shalt  }
0x6b: {  	_ =	shalt  }
0x6c: {  	_ =	shalt  }
0x6d: {  	_ =	shalt  }
0x6e: {  	_ =	shalt  }
0x6f: {  	_ =	shalt  }
0x70: {  	_ =	shalt  }
0x71: {  	_ =	shalt  }
0x72: {  	_ =	shalt  }
0x73: {  	_ =	shalt  }
0x74: {  	_ =	shalt  }
0x75: {  	_ =	shalt  }
0x76: {  	_ =	shalt  }
0x77: {  	_ =	shalt  }
0x78: {  	_ =	shalt  }
0x79: {  	_ =	shalt  }
0x7a: {  	_ =	shalt  }
0x7b: {  	_ =	shalt  }
0x7c: {  	_ =	shalt  }
0x7d: {  	_ =	shalt  }
0x7e: {  	_ =	shalt  }
0x7f: {  	_ =	shalt  }
0x80: {  	_ =	shalt  }
0x81: {  	_ =	shalt  }
0x82: {  	_ =	shalt  }
0x83: {  	_ =	shalt  }
0x84: {  	_ =	shalt  }
0x85: {  	_ =	shalt  }
0x86: {  	_ =	shalt  }
0x87: {  	_ =	shalt  }
.Lfunc_end0:
.L_simem_size_0:
called_computation_lowered:
.L_overlay_start_0:
0x88: {  	s2 =	sld [smem:$0x3FD9]  }
0x89: {  	s3 =	sld [smem:$0x3FFE];
	_ =	sdelay $0x1  }
0x8a: {  	s1 =	srdreg.scid  }
0x8b: {  	s0 =	sand.u32 $0x1, s1  }
0x8c: {  	s17 =	sshll.u32 s0, $0xA;
	s2 =	sadd.s32 s3, s2  }
0x8d: {  	s2 =	sadd.s32 s2, s17  }
0x8e: {  	[smem:$0x3FC6] =	sst s2  }
0x8f: {  	_ = 	snop  }
0x90: {  	s2 =	sld [smem:$0x3FC9]  }
0x91: {  	s18 =	sld [smem:$0x3FD0];
	(tm) =	ssettm $0x1  }
0x92: {  	s4 =	sld [smem:$0x3FFB];
	_ =	sdelay $0x3  }
0x93: {  	_ =	strace s4  }
0x94: {  	s4 =	sld [smem:$0x3FFC];
	_ =	sdelay $0x3  }
0x95: {  	_ =	strace s4  }
0x96: {  	s4 =	sld [smem:$0x3FFD];
	_ =	sdelay $0x3  }
0x97: {  	_ =	strace s4  }
0x98: {  	_ =	strace $0x8FFFFFFF  }
0x99: {  	s19 =	sld [smem:$0x3FDB];
	_ =	sdelay $0x1  }
0x9a: {  	s5 =	simm.s32 $_scs_section_size  }
0x9b: {  	s6 =	simm.s32 $_size__tile_overlayer_lowered;
	s7 =	simm.s32 $_tile_overlayer_lowered  }
0x9c: {  	s22 =	simm.s32 $0x1BFF;
	s21 =	sshll.u32 s7, $0x1;
	s4 =	sadd.s32 s5, s19  }
0x9d: {  	s8 =	simm.s32 $0x0;
	s20 =	sshll.u32 s6, $0x1;
	s6 =	sadd.s32 s21, s4  }
0x9e: {  	[timem:s8], [sflag:s22] =	dma.local [hbm:s6], s20  }
0x9f: {  	_ =	swait.ge [sflag:s22], s20  }
0xa0: {  	s5 =	ssub.s32 $0x0, s20;
	[sflag:s22] =	ssyncset.done $0x0  }
0xa1: {  	[sflag:s22] =	ssyncadd.s32 s5;
	_ =	sdelay $0x1  }
0xa2: {  	s23 =	simm.s32 $0x1B8B  }
0xa3: {  	_ =	swait.ge [sflag:s23], $0x1  }
0xa4: {  	[sflag:s23] =	ssyncset.done $0x0  }
0xa5: {  	s25 =	simm.s32 $0x1B8E;
	s24 =	sld [smem:$0x3FFE];
	[sflag:s23] =	ssyncadd.s32 $0xFFFFFFFF  }
0xa6: {  	s26 =	simm.s32 $execute0_lowered;
	[smem:$0x3FD2] =	sst s25  }
0xa7: {  	s6 =	sshll.u32 s26, $0x1;
	_ =	strace $0x80000046;
	[dreg:$0x1] =	wrdreg $0xFFFFFFFF  }
0xa8: {  	s28 =	simm.s32 $_size_execute0_lowered;
	s4 =	sadd.s32 s4, s6;
	[dreg:$0x0] =	wrdreg $0x0  }
0xa9: {  	s6 =	sshll.u32 s28, $0x1;
	[dreg:$0x2] =	wrdreg s4  }
0xaa: {  	[dreg:$0x3] =	wrdreg s6  }
0xab: {  	[dreg:$0x4] =	wrdreg $0xC0  }
0xac: {  	_ =	task [dreg:s8], $0x5FFFF  }
0xad: {  	[dreg:$0x1] =	wrdreg $0xFFFFFFFF  }
0xae: {  	[dreg:$0x0] =	wrdreg $0x60  }
0xaf: {  	[dreg:$0x2] =	wrdreg s2  }
0xb0: {  	[dreg:$0x3] =	wrdreg s24  }
0xb1: {  	[dreg:$0x4] =	wrdreg s18  }
0xb2: {  	[dreg:$0x5] =	wrdreg $0x9  }
0xb3: {  	_ =	task.clear_ibuf [dreg:s8], $0x6FFFF;
	_ =	strace $0x90000046  }
0xb4: {  	s29 =	simm.s32 $0x9;
	_ =	strace $0x80000048  }
0xb5: {  	_ =	swait.ge [sflag:s29], $0x1  }
0xb6: {  	[sflag:s29] =	ssyncadd.s32 $0xFFFFFFFF  }
0xb7: {  	_ =	strace $0x90000048  }
0xb8: {  	_ =	sfence  }
0xb9: {  	s30 =	sld [smem:$0x0];
	_ =	sdelay $0x2  }
0xba: {  	s31 =	sshll.u32 s1, $0xD;
	s1 =	sshrl.u32 s1, $0x2  }
0xbb: {  	s3 =	sand.u32 $0x4000, s31;
	s1 =	sadd.s32 s1, s30  }
0xbc: {  	s0 =	sor.u32 s3, s0;
	s1 =	sshll.u32 s1, $0x11  }
0xbd: {  	s0 =	sor.u32 s1, s0  }
0xbe: {  	s0 =	sadd.s32 $0x8F2B, s0  }
0xbf: {  	[sflag:s0] =	ssyncadd.remote.s32 $0x1  }
0xc0: {  	_ =	sfence.sel $0xFFFF  }
0xc1: {  	[dreg:$0x0] =	wrdreg $0xFFFFFFFF;
	(pc) =	sbr.abs _section_cstart, $3  }
0xc2: {  	[dreg:$0x1] =	wrdreg $0xFFFFFFFF  }
0xc3: {  	_ =	task.clear_ibuf [dreg:s8], $0x2FFFF;
	_ =	strace $0x9FFFFFFF  }
0xc4: {  	(tm) =	ssettm $0x7FFFFFFF  }
0xc5: {  	_ =	shalt  }
tec
execute0_lowered:
.L_overlay_start_1:
0x0: {  	(tag) =	ssettag $0x1  }
0x1: {  	s1 =	rddreg [dreg:$0x0]  }
0x2: {  	s5 =	rddreg [dreg:$0x1]  }
0x3: {  	s2 =	rddreg [dreg:$0x2]  }
0x4: {  	s0 =	rddreg [dreg:$0x3];
	s3 =	simm.s32 $0x0  }
0x5: {  	s4 =	srdreg.scid;
	s10 =	simm.s32 $0x1E00;
	s11 =	simm.s32 $0x800  }
0x6: {  	s12 =	simm.s32 $0x200000;
	s13 =	simm.s32 $0x2000;
	s14 =	simm.s32 $0xD000  }
0x7: {  	s15 =	simm.s32 $0x1F00;
	s16 =	simm.s32 $0x7800;
	s17 =	simm.s32 $0x1  }
0x8: {  	s18 =	simm.s32 $0x3;
	s19 =	simm.s32 $0x2;
	s20 =	simm.s32 $0x4  }
0x9: {  	s21 =	simm.s32 $0x0;
	[smem:$0x7FF] =	sst s3;
	s6 =	sand.u32 $0x1, s4  }
0xa: {  	s4 =	stileid.u32;
	s5 =	sadd.s32 $0x400, s5;
	s7 =	ssub.s32 $0x2, s6  }
0xb: {  	s9 =	sshll.u32 s4, $0xE;
	s6 =	sshll.u32 s6, $0xD;
	s8 =	sshrl.u32 s7, $0x1  }
0xc: {  	_ =	strace $0x80000047;
	s6 =	sor.u32 s6, s9;
	s8 =	ssub.s32 s7, s8  }
0xd: {  	v0 =	vimm.f32 $0.0e+00;
	s9 =	simm.s32 $0x5;
	s7 =	sadd.s32 $0x2C0000, s2;
	s8 =	smax.u32 s8, $0x1  }
.LBB2_1:
0xe: {  	[tilespmem:s3], [sflag:$0x5] =	stream.linear.gather [hbm4b:s5+s3], $0x1E00, $0x38;
	[tilespmem:$0x1E800] =	vst v63  }
0xf: {  	_ =	swait.ge [sflag:s9], $0x1E00  }
0x10: {  	s22 =	sand.u32 $0x1F800, s3;
	s23 =	sand.u32 $0x300, s3;
	[sflag:s9] =	ssyncset.done $0x0  }
0x11: {  	s22 =	sor.u32 s23, s22;
	[sflag:s9] =	ssyncadd.s32 $0xFFFFE200  }
0x12: {  	[tilespmem:s22+$0xD4F0] =	vst v0  }
0x13: {  	[tilespmem:s22+$0xD000] =	vst v0  }
0x14: {  	[tilespmem:s22+$0xD010] =	vst v0  }
0x15: {  	[tilespmem:s22+$0xD020] =	vst v0  }
0x16: {  	[tilespmem:s22+$0xD030] =	vst v0  }
0x17: {  	[tilespmem:s22+$0xD040] =	vst v0  }
0x18: {  	[tilespmem:s22+$0xD050] =	vst v0  }
0x19: {  	[tilespmem:s22+$0xD060] =	vst v0  }
0x1a: {  	[tilespmem:s22+$0xD070] =	vst v0  }
0x1b: {  	[tilespmem:s22+$0xD400] =	vst v0  }
0x1c: {  	[tilespmem:s22+$0xD410] =	vst v0  }
0x1d: {  	[tilespmem:s22+$0xD420] =	vst v0  }
0x1e: {  	[tilespmem:s22+$0xD430] =	vst v0  }
0x1f: {  	[tilespmem:s22+$0xD440] =	vst v0  }
0x20: {  	[tilespmem:s22+$0xD450] =	vst v0  }
0x21: {  	[tilespmem:s22+$0xD460] =	vst v0  }
0x22: {  	[tilespmem:s22+$0xD470] =	vst v0  }
0x23: {  	[tilespmem:s22+$0xD080] =	vst v0  }
0x24: {  	[tilespmem:s22+$0xD090] =	vst v0  }
0x25: {  	[tilespmem:s22+$0xD0A0] =	vst v0  }
0x26: {  	[tilespmem:s22+$0xD0B0] =	vst v0  }
0x27: {  	[tilespmem:s22+$0xD0C0] =	vst v0  }
0x28: {  	[tilespmem:s22+$0xD0D0] =	vst v0  }
0x29: {  	[tilespmem:s22+$0xD0E0] =	vst v0  }
0x2a: {  	[tilespmem:s22+$0xD0F0] =	vst v0  }
0x2b: {  	[tilespmem:s22+$0xD480] =	vst v0  }
0x2c: {  	[tilespmem:s22+$0xD490] =	vst v0  }
0x2d: {  	[tilespmem:s22+$0xD4A0] =	vst v0  }
0x2e: {  	[tilespmem:s22+$0xD4B0] =	vst v0  }
0x2f: {  	s24 =	simm.s32 $0x100;
	s25 =	simm.s32 $0x200;
	s23 =	simm.s32 $0x0;
	[tilespmem:s22+$0xD4C0] =	vst v0  }
.LBB2_2:
0x30: {  	s26 =	sand.u32 $0x1F800, s25;
	s28 =	sand.u32 $0x300, s24;
	s23 =	sadd.s32 $0x2, s23;
	[tilespmem:s22+$0xD4D0] =	vst v0  }
0x31: {  	p0 =	slt.u32 s23, $0x114;
	[tilespmem:s22+$0xD4E0] =	vst v0;
	s22 =	sor.u32 s28, s26  }
0x32: {  	[tilespmem:s22+$0xD4F0] =	vst v0  }
0x33: {  	[tilespmem:s22+$0xD000] =	vst v0  }
0x34: {  	[tilespmem:s22+$0xD010] =	vst v0  }
0x35: {  	[tilespmem:s22+$0xD020] =	vst v0  }
0x36: {  	[tilespmem:s22+$0xD030] =	vst v0  }
0x37: {  	[tilespmem:s22+$0xD040] =	vst v0  }
0x38: {  	[tilespmem:s22+$0xD050] =	vst v0  }
0x39: {  	[tilespmem:s22+$0xD060] =	vst v0  }
0x3a: {  	[tilespmem:s22+$0xD070] =	vst v0  }
0x3b: {  	[tilespmem:s22+$0xD400] =	vst v0  }
0x3c: {  	[tilespmem:s22+$0xD410] =	vst v0  }
0x3d: {  	[tilespmem:s22+$0xD420] =	vst v0  }
0x3e: {  	[tilespmem:s22+$0xD430] =	vst v0  }
0x3f: {  	[tilespmem:s22+$0xD440] =	vst v0  }
0x40: {  	[tilespmem:s22+$0xD450] =	vst v0  }
0x41: {  	[tilespmem:s22+$0xD460] =	vst v0  }
0x42: {  	[tilespmem:s22+$0xD470] =	vst v0  }
0x43: {  	[tilespmem:s22+$0xD080] =	vst v0  }
0x44: {  	[tilespmem:s22+$0xD090] =	vst v0  }
0x45: {  	[tilespmem:s22+$0xD0A0] =	vst v0  }
0x46: {  	[tilespmem:s22+$0xD0B0] =	vst v0  }
0x47: {  	[tilespmem:s22+$0xD0C0] =	vst v0  }
0x48: {  	[tilespmem:s22+$0xD0D0] =	vst v0  }
0x49: {  	[tilespmem:s22+$0xD0E0] =	vst v0  }
0x4a: {  	[tilespmem:s22+$0xD0F0] =	vst v0  }
.Ltmp0:
0x4b: {  	[tilespmem:s22+$0xD480] =	vst v0;
	(pc) =	sbr.rel @p0 .LBB2_2-.Ltmp0, $4  }
0x4c: {  	[tilespmem:s22+$0xD490] =	vst v0  }
0x4d: {  	[tilespmem:s22+$0xD4A0] =	vst v0  }
0x4e: {  	[tilespmem:s22+$0xD4B0] =	vst v0  }
0x4f: {  	s24 =	sadd.s32 $0x100, s24;
	s25 =	sadd.s32 $0x200, s25;
	[tilespmem:s22+$0xD4C0] =	vst v0  }
0x50: {  	[tilespmem:s22+$0xD4D0] =	vst v0  }
0x51: {  	[tilespmem:s22+$0xD4E0] =	vst v0  }
0x52: {  	[tilespmem:$0x7380] =	vst v0  }
0x53: {  	[tilespmem:$0xCB80] =	vst v0  }
0x54: {  	[tilespmem:$0x7390] =	vst v0  }
0x55: {  	[tilespmem:$0xCB90] =	vst v0  }
0x56: {  	[tilespmem:$0x73A0] =	vst v0  }
0x57: {  	[tilespmem:$0xCBA0] =	vst v0  }
0x58: {  	[tilespmem:$0x73B0] =	vst v0  }
0x59: {  	[tilespmem:$0xCBB0] =	vst v0  }
0x5a: {  	[tilespmem:$0x73C0] =	vst v0  }
0x5b: {  	[tilespmem:$0xCBC0] =	vst v0  }
0x5c: {  	[tilespmem:$0x73D0] =	vst v0  }
0x5d: {  	[tilespmem:$0xCBD0] =	vst v0  }
0x5e: {  	[tilespmem:$0x73E0] =	vst v0  }
0x5f: {  	[tilespmem:$0xCBE0] =	vst v0  }
0x60: {  	[tilespmem:$0x73F0] =	vst v0  }
0x61: {  	[tilespmem:$0xCBF0] =	vst v0  }
0x62: {  	[tilespmem:$0x7780] =	vst v0  }
0x63: {  	[tilespmem:$0xCF80] =	vst v0  }
0x64: {  	[tilespmem:$0x7790] =	vst v0  }
0x65: {  	[tilespmem:$0xCF90] =	vst v0  }
0x66: {  	[tilespmem:$0x77A0] =	vst v0  }
0x67: {  	[tilespmem:$0xCFA0] =	vst v0  }
0x68: {  	[tilespmem:$0x77B0] =	vst v0  }
0x69: {  	[tilespmem:$0xCFB0] =	vst v0  }
0x6a: {  	[tilespmem:$0x77C0] =	vst v0  }
0x6b: {  	[tilespmem:$0xCFC0] =	vst v0  }
0x6c: {  	[tilespmem:$0x77D0] =	vst v0  }
0x6d: {  	[tilespmem:$0xCFD0] =	vst v0  }
0x6e: {  	[tilespmem:$0x77E0] =	vst v0  }
0x6f: {  	[tilespmem:$0xCFE0] =	vst v0  }
0x70: {  	[tilespmem:$0x77F0] =	vst v0  }
0x71: {  	s22 =	simm.s32 $0x0;
	s23 =	simm.s32 $0x0;
	[tilespmem:$0xCFF0] =	vst v0  }
.LBB2_4:
0x72: {  	p0 =	seq.s32 s23, $0x0  }
0x73: {  	s24 =	simm.s32 @!p0 $0x1  }
0x74: {  	_ =	swait.ge @!p0 [sflag:s24], $0x5800  }
0x75: {  	[sflag:s24] =	ssyncset.done @!p0 $0x0  }
0x76: {  	s30 =	sshll.u32 s23, $0x9;
	s25 =	simm.s32 @!p0 $0x3;
	[sflag:s24] =	ssyncadd.s32 @!p0 $0xFFFFA800  }
0x77: {  	s24 =	sor.u32 s6, s30;
	_ =	swait.ge @!p0 [sflag:s25], $0x11800  }
0x78: {  	s26 =	sshrl.u32 s24, $0x3;
	[sflag:s25] =	ssyncset.done @!p0 $0x0  }
0x79: {  	s31 =	sadd.s32 s1, s26;
	[sflag:s25] =	ssyncadd.s32 @!p0 $0xFFFEE800  }
0x7a: {  	[tilespmem:s10], [sflag:$0x5] =	stream.linear.gather [hbm4b:s31+s22], $0x100, $0x38;
	[tilespmem:$0x1E800] =	vst v63  }
0x7b: {  	_ =	swait.ge [sflag:s9], $0x100  }
0x7c: {  	[sflag:s9] =	ssyncset.done $0x0  }
0x7d: {  	[sflag:s9] =	ssyncadd.s32 $0xFFFFFF00  }
0x7e: {  	v12 =	vld [tilespmem:$0x1E00]  }
0x7f: {  	v13 =	vld [tilespmem:$0x1E10]  }
0x80: {  	v14 =	vld [tilespmem:$0x1E20]  }
0x81: {  	v15 =	vld [tilespmem:$0x1E30]  }
0x82: {  	v16 =	vld [tilespmem:$0x1E40]  }
0x83: {  	v11 =	vld [tilespmem:$0x1E50]  }
0x84: {  	v10 =	vld [tilespmem:$0x1E60]  }
0x85: {  	v9 =	vld [tilespmem:$0x1E70]  }
0x86: {  	v8 =	vld [tilespmem:$0x1E80]  }
0x87: {  	v7 =	vld [tilespmem:$0x1E90]  }
0x88: {  	v6 =	vld [tilespmem:$0x1EA0]  }
0x89: {  	v5 =	vld [tilespmem:$0x1EB0]  }
0x8a: {  	v3 =	vld [tilespmem:$0x1EC0]  }
0x8b: {  	v2 =	vld [tilespmem:$0x1ED0]  }
0x8c: {  	s28 =	simm.s32 $0x58;
	v1 =	vld [tilespmem:$0x1EE0]  }
0x8d: {  	s29 =	simm.s32 $0x0;
	s26 =	simm.s32 $0x80;
	s25 =	simm.s32 $0xFFFFFFFE;
	v4 =	vld [tilespmem:$0x1EF0]  }
.LBB2_5:
0x8e: {  	s30 =	sadd.s32 $0xFFFFFFA8, s28  }
0x8f: {  	v17 =	vadd.s32 s30, v12  }
0x90: {  	v18 =	vadd.s32 s30, v13  }
0x91: {  	v19 =	vadd.s32 s30, v14  }
0x92: {  	v20 =	vadd.s32 s30, v15  }
0x93: {  	v21 =	vadd.s32 s30, v16  }
0x94: {  	v22 =	vadd.s32 s30, v11;
	v17 =	vld.idx.msk [tilespmem:v17+s3+$0x0], $0xffff  }
0x95: {  	v23 =	vadd.s32 s30, v10;
	v18 =	vld.idx.msk [tilespmem:v18+s3+$0x0], $0xffff  }
0x96: {  	v24 =	vadd.s32 s30, v9;
	v19 =	vld.idx.msk [tilespmem:v19+s3+$0x0], $0xffff  }
0x97: {  	v25 =	vadd.s32 s30, v8;
	v20 =	vld.idx.msk [tilespmem:v20+s3+$0x0], $0xffff  }
0x98: {  	v26 =	vadd.s32 s30, v7;
	v21 =	vld.idx.msk [tilespmem:v21+s3+$0x0], $0xffff  }
0x99: {  	v27 =	vadd.s32 s30, v6;
	v22 =	vld.idx.msk [tilespmem:v22+s3+$0x0], $0xffff  }
0x9a: {  	v28 =	vadd.s32 s30, v5;
	v23 =	vld.idx.msk [tilespmem:v23+s3+$0x0], $0xffff  }
0x9b: {  	v29 =	vadd.s32 s30, v3;
	v24 =	vld.idx.msk [tilespmem:v24+s3+$0x0], $0xffff  }
0x9c: {  	v30 =	vadd.s32 s30, v2;
	v25 =	vld.idx.msk [tilespmem:v25+s3+$0x0], $0xffff  }
0x9d: {  	v31 =	vadd.s32 s30, v1;
	v26 =	vld.idx.msk [tilespmem:v26+s3+$0x0], $0xffff  }
0x9e: {  	v32 =	vadd.s32 s30, v4;
	v27 =	vld.idx.msk [tilespmem:v27+s3+$0x0], $0xffff  }
0x9f: {  	v28 =	vld.idx.msk [tilespmem:v28+s3+$0x0], $0xffff  }
0xa0: {  	s31 =	sadd.s32 $0xFFFFFF80, s26;
	s30 =	sand.u32 $0x7800, s29;
	v29 =	vld.idx.msk [tilespmem:v29+s3+$0x0], $0xffff  }
0xa1: {  	s31 =	sand.u32 $0x300, s31;
	s30 =	sadd.s32 $0x2000, s30;
	v30 =	vld.idx.msk [tilespmem:v30+s3+$0x0], $0xffff  }
0xa2: {  	s31 =	sor.u32 s31, s30;
	v31 =	vld.idx.msk [tilespmem:v31+s3+$0x0], $0xffff  }
0xa3: {  	v32 =	vld.idx.msk [tilespmem:v32+s3+$0x0], $0xffff;
	[tilespmem:s31+$0x0] =	vst v17  }
0xa4: {  	[tilespmem:s31+$0x10] =	vst v18  }
0xa5: {  	[tilespmem:s31+$0x20] =	vst v19  }
0xa6: {  	[tilespmem:s31+$0x30] =	vst v20  }
0xa7: {  	[tilespmem:s31+$0x40] =	vst v21  }
0xa8: {  	[tilespmem:s31+$0x50] =	vst v22  }
0xa9: {  	[tilespmem:s31+$0x60] =	vst v23  }
0xaa: {  	[tilespmem:s31+$0x70] =	vst v24  }
0xab: {  	[tilespmem:s31+$0x400] =	vst v25  }
0xac: {  	[tilespmem:s31+$0x410] =	vst v26  }
0xad: {  	[tilespmem:s31+$0x420] =	vst v27  }
0xae: {  	v51 =	vadd.s32 s28, v15;
	[tilespmem:s31+$0x430] =	vst v28  }
0xaf: {  	v52 =	vadd.s32 s28, v16;
	[tilespmem:s31+$0x440] =	vst v29  }
0xb0: {  	v53 =	vadd.s32 s28, v11;
	[tilespmem:s31+$0x450] =	vst v30  }
0xb1: {  	v54 =	vadd.s32 s28, v10;
	[tilespmem:s31+$0x460] =	vst v31  }
0xb2: {  	v55 =	vadd.s32 s28, v9;
	[tilespmem:s31+$0x470] =	vst v32  }
0xb3: {  	v56 =	vadd.s32 s28, v8;
	v20 =	vld.idx.msk [tilespmem:v51+s3+$0x0], $0xffff  }
0xb4: {  	v57 =	vadd.s32 s28, v7;
	v21 =	vld.idx.msk [tilespmem:v52+s3+$0x0], $0xffff  }
0xb5: {  	v58 =	vadd.s32 s28, v6;
	v22 =	vld.idx.msk [tilespmem:v53+s3+$0x0], $0xffff  }
0xb6: {  	v59 =	vadd.s32 s28, v5;
	v23 =	vld.idx.msk [tilespmem:v54+s3+$0x0], $0xffff  }
0xb7: {  	v60 =	vadd.s32 s28, v3;
	v24 =	vld.idx.msk [tilespmem:v55+s3+$0x0], $0xffff  }
0xb8: {  	v61 =	vadd.s32 s28, v2;
	v25 =	vld.idx.msk [tilespmem:v56+s3+$0x0], $0xffff  }
0xb9: {  	v62 =	vadd.s32 s28, v1;
	v26 =	vld.idx.msk [tilespmem:v57+s3+$0x0], $0xffff  }
0xba: {  	v63 =	vadd.s32 s28, v4;
	v27 =	vld.idx.msk [tilespmem:v58+s3+$0x0], $0xffff  }
0xbb: {  	v17 =	vadd.s32 s28, v12;
	v28 =	vld.idx.msk [tilespmem:v59+s3+$0x0], $0xffff  }
0xbc: {  	v18 =	vadd.s32 s28, v13;
	v29 =	vld.idx.msk [tilespmem:v60+s3+$0x0], $0xffff  }
0xbd: {  	v19 =	vadd.s32 s28, v14;
	v30 =	vld.idx.msk [tilespmem:v61+s3+$0x0], $0xffff  }
0xbe: {  	v31 =	vld.idx.msk [tilespmem:v62+s3+$0x0], $0xffff  }
0xbf: {  	v32 =	vld.idx.msk [tilespmem:v63+s3+$0x0], $0xffff  }
0xc0: {  	s31 =	sand.u32 $0x380, s26;
	v17 =	vld.idx.msk [tilespmem:v17+s3+$0x0], $0xffff  }
0xc1: {  	s30 =	sor.u32 s31, s30;
	v18 =	vld.idx.msk [tilespmem:v18+s3+$0x0], $0xffff  }
0xc2: {  	v19 =	vld.idx.msk [tilespmem:v19+s3+$0x0], $0xffff;
	[tilespmem:s30+$0x30] =	vst v20  }
0xc3: {  	[tilespmem:s30+$0x40] =	vst v21  }
0xc4: {  	[tilespmem:s30+$0x50] =	vst v22  }
0xc5: {  	[tilespmem:s30+$0x60] =	vst v23  }
0xc6: {  	[tilespmem:s30+$0x70] =	vst v24  }
0xc7: {  	[tilespmem:s30+$0x400] =	vst v25  }
0xc8: {  	[tilespmem:s30+$0x410] =	vst v26  }
0xc9: {  	[tilespmem:s30+$0x420] =	vst v27  }
0xca: {  	[tilespmem:s30+$0x430] =	vst v28  }
0xcb: {  	s25 =	sadd.s32 $0x2, s25;
	[tilespmem:s30+$0x440] =	vst v29  }
0xcc: {  	p1 =	slt.u32 s25, $0x54;
	[tilespmem:s30+$0x450] =	vst v30  }
.Ltmp1:
0xcd: {  	[tilespmem:s30+$0x460] =	vst v31;
	(pc) =	sbr.rel @p1 .LBB2_5-.Ltmp1, $4  }
0xce: {  	[tilespmem:s30+$0x470] =	vst v32  }
0xcf: {  	[tilespmem:s30+$0x0] =	vst v17  }
0xd0: {  	[tilespmem:s30+$0x10] =	vst v18  }
0xd1: {  	s29 =	sadd.s32 $0x200, s29;
	s26 =	sadd.s32 $0x100, s26;
	s28 =	sadd.s32 $0xB0, s28;
	[tilespmem:s30+$0x20] =	vst v19  }
0xd2: {  	v12 =	vadd.s32 $0x1D90, v12  }
0xd3: {  	v13 =	vadd.s32 $0x1D90, v13  }
0xd4: {  	v14 =	vadd.s32 $0x1D90, v14  }
0xd5: {  	v15 =	vadd.s32 $0x1D90, v15  }
0xd6: {  	v16 =	vadd.s32 $0x1D90, v16  }
0xd7: {  	v11 =	vadd.s32 $0x1D90, v11;
	v12 =	vld.idx.msk [tilespmem:v12+s3+$0x0], $0xffff  }
0xd8: {  	v10 =	vadd.s32 $0x1D90, v10;
	v13 =	vld.idx.msk [tilespmem:v13+s3+$0x0], $0xffff  }
0xd9: {  	v9 =	vadd.s32 $0x1D90, v9;
	v14 =	vld.idx.msk [tilespmem:v14+s3+$0x0], $0xffff  }
0xda: {  	v8 =	vadd.s32 $0x1D90, v8;
	v15 =	vld.idx.msk [tilespmem:v15+s3+$0x0], $0xffff  }
0xdb: {  	v7 =	vadd.s32 $0x1D90, v7;
	v16 =	vld.idx.msk [tilespmem:v16+s3+$0x0], $0xffff  }
0xdc: {  	v6 =	vadd.s32 $0x1D90, v6;
	v11 =	vld.idx.msk [tilespmem:v11+s3+$0x0], $0xffff  }
0xdd: {  	v5 =	vadd.s32 $0x1D90, v5;
	v10 =	vld.idx.msk [tilespmem:v10+s3+$0x0], $0xffff  }
0xde: {  	v3 =	vadd.s32 $0x1D90, v3;
	v9 =	vld.idx.msk [tilespmem:v9+s3+$0x0], $0xffff  }
0xdf: {  	v2 =	vadd.s32 $0x1D90, v2;
	v8 =	vld.idx.msk [tilespmem:v8+s3+$0x0], $0xffff  }
0xe0: {  	v1 =	vadd.s32 $0x1D90, v1;
	v7 =	vld.idx.msk [tilespmem:v7+s3+$0x0], $0xffff  }
0xe1: {  	v4 =	vadd.s32 $0x1D90, v4;
	v6 =	vld.idx.msk [tilespmem:v6+s3+$0x0], $0xffff  }
0xe2: {  	v5 =	vld.idx.msk [tilespmem:v5+s3+$0x0], $0xffff  }
0xe3: {  	v3 =	vld.idx.msk [tilespmem:v3+s3+$0x0], $0xffff  }
0xe4: {  	v2 =	vld.idx.msk [tilespmem:v2+s3+$0x0], $0xffff  }
0xe5: {  	v1 =	vld.idx.msk [tilespmem:v1+s3+$0x0], $0xffff  }
0xe6: {  	v4 =	vld.idx.msk [tilespmem:v4+s3+$0x0], $0xffff;
	[tilespmem:$0x7300] =	vst v12  }
0xe7: {  	[tilespmem:$0x7310] =	vst v13  }
0xe8: {  	[tilespmem:$0x7320] =	vst v14  }
0xe9: {  	[tilespmem:$0x7330] =	vst v15  }
0xea: {  	[tilespmem:$0x7340] =	vst v16  }
0xeb: {  	[tilespmem:$0x7350] =	vst v11  }
0xec: {  	[tilespmem:$0x7360] =	vst v10  }
0xed: {  	[tilespmem:$0x7370] =	vst v9  }
0xee: {  	[tilespmem:$0x7700] =	vst v8  }
0xef: {  	[tilespmem:$0x7710] =	vst v7  }
0xf0: {  	[tilespmem:$0x7720] =	vst v6  }
0xf1: {  	[tilespmem:$0x7730] =	vst v5  }
0xf2: {  	[tilespmem:$0x7740] =	vst v3  }
0xf3: {  	[tilespmem:$0x7750] =	vst v2  }
0xf4: {  	[tilespmem:$0x7760] =	vst v1  }
0xf5: {  	s25 =	sadd.s32 s2, s24;
	[tilespmem:$0x7770] =	vst v4  }
0xf6: {  	[hbm4b:s25+s11] =	stream.strided.scatter [tilespmem:s13], [sflag:$0x1], $0x5800, s12, s11, $0x38;
	[tilespmem:$0x1E800] =	vst v63  }
0xf7: {  	s31 =	sadd.s32 s24, s7;
	s25 =	simm.s32 @!p0 $0x2  }
0xf8: {  	[hbm4b:s31+s11] =	stream.strided.scatter [tilespmem:s14], [sflag:$0x3], $0x11800, s12, s11, $0x38;
	[tilespmem:$0x1E800] =	vst v63  }
0xf9: {  	_ =	swait.ge @!p0 [sflag:s25], $0x5800  }
0xfa: {  	[sflag:s25] =	ssyncset.done @!p0 $0x0  }
0xfb: {  	[sflag:s25] =	ssyncadd.s32 @!p0 $0xFFFFA800;
	s25 =	simm.s32 @!p0 $0x4  }
0xfc: {  	s24 =	sor.u32 $0x100, s24;
	_ =	swait.ge @!p0 [sflag:s25], $0x11800  }
0xfd: {  	s26 =	sshrl.u32 s24, $0x3;
	[sflag:s25] =	ssyncset.done @!p0 $0x0  }
0xfe: {  	s26 =	sadd.s32 s1, s26;
	[sflag:s25] =	ssyncadd.s32 @!p0 $0xFFFEE800;
	s25 =	simm.s32 $0x0  }
0xff: {  	[tilespmem:s15], [sflag:$0x5] =	stream.linear.gather [hbm4b:s26+s25], $0x100, $0x38;
	[tilespmem:$0x1E800] =	vst v63  }
0x100: {  	_ =	swait.ge [sflag:s9], $0x100  }
0x101: {  	[sflag:s9] =	ssyncset.done $0x0  }
0x102: {  	[sflag:s9] =	ssyncadd.s32 $0xFFFFFF00  }
0x103: {  	v12 =	vld [tilespmem:$0x1F00]  }
0x104: {  	v13 =	vld [tilespmem:$0x1F10]  }
0x105: {  	v14 =	vld [tilespmem:$0x1F20]  }
0x106: {  	v15 =	vld [tilespmem:$0x1F30]  }
0x107: {  	v16 =	vld [tilespmem:$0x1F40]  }
0x108: {  	v11 =	vld [tilespmem:$0x1F50]  }
0x109: {  	v10 =	vld [tilespmem:$0x1F60]  }
0x10a: {  	v9 =	vld [tilespmem:$0x1F70]  }
0x10b: {  	v8 =	vld [tilespmem:$0x1F80]  }
0x10c: {  	v7 =	vld [tilespmem:$0x1F90]  }
0x10d: {  	v6 =	vld [tilespmem:$0x1FA0]  }
0x10e: {  	v5 =	vld [tilespmem:$0x1FB0]  }
0x10f: {  	v3 =	vld [tilespmem:$0x1FC0]  }
0x110: {  	v2 =	vld [tilespmem:$0x1FD0]  }
0x111: {  	v1 =	vld [tilespmem:$0x1FE0]  }
0x112: {  	s28 =	simm.s32 $0x80;
	s29 =	simm.s32 $0x58;
	s26 =	simm.s32 $0xFFFFFFFE;
	v4 =	vld [tilespmem:$0x1FF0]  }
.LBB2_7:
0x113: {  	s30 =	sadd.s32 $0xFFFFFFA8, s29  }
0x114: {  	v17 =	vadd.s32 s30, v12  }
0x115: {  	v18 =	vadd.s32 s30, v13  }
0x116: {  	v19 =	vadd.s32 s30, v14  }
0x117: {  	v20 =	vadd.s32 s30, v15  }
0x118: {  	v21 =	vadd.s32 s30, v16  }
0x119: {  	v22 =	vadd.s32 s30, v11;
	v17 =	vld.idx.msk [tilespmem:v17+s3+$0x0], $0xffff  }
0x11a: {  	v23 =	vadd.s32 s30, v10;
	v18 =	vld.idx.msk [tilespmem:v18+s3+$0x0], $0xffff  }
0x11b: {  	v24 =	vadd.s32 s30, v9;
	v19 =	vld.idx.msk [tilespmem:v19+s3+$0x0], $0xffff  }
0x11c: {  	v25 =	vadd.s32 s30, v8;
	v20 =	vld.idx.msk [tilespmem:v20+s3+$0x0], $0xffff  }
0x11d: {  	v26 =	vadd.s32 s30, v7;
	v21 =	vld.idx.msk [tilespmem:v21+s3+$0x0], $0xffff  }
0x11e: {  	v27 =	vadd.s32 s30, v6;
	v22 =	vld.idx.msk [tilespmem:v22+s3+$0x0], $0xffff  }
0x11f: {  	v28 =	vadd.s32 s30, v5;
	v23 =	vld.idx.msk [tilespmem:v23+s3+$0x0], $0xffff  }
0x120: {  	v29 =	vadd.s32 s30, v3;
	v24 =	vld.idx.msk [tilespmem:v24+s3+$0x0], $0xffff  }
0x121: {  	v30 =	vadd.s32 s30, v2;
	v25 =	vld.idx.msk [tilespmem:v25+s3+$0x0], $0xffff  }
0x122: {  	v31 =	vadd.s32 s30, v1;
	v26 =	vld.idx.msk [tilespmem:v26+s3+$0x0], $0xffff  }
0x123: {  	v32 =	vadd.s32 s30, v4;
	v27 =	vld.idx.msk [tilespmem:v27+s3+$0x0], $0xffff  }
0x124: {  	v28 =	vld.idx.msk [tilespmem:v28+s3+$0x0], $0xffff  }
0x125: {  	s31 =	sadd.s32 $0xFFFFFF80, s28;
	s30 =	sand.u32 $0x7800, s25;
	v29 =	vld.idx.msk [tilespmem:v29+s3+$0x0], $0xffff  }
0x126: {  	s31 =	sand.u32 $0x300, s31;
	s30 =	sadd.s32 $0x7800, s30;
	v30 =	vld.idx.msk [tilespmem:v30+s3+$0x0], $0xffff  }
0x127: {  	s31 =	sor.u32 s31, s30;
	v31 =	vld.idx.msk [tilespmem:v31+s3+$0x0], $0xffff  }
0x128: {  	v32 =	vld.idx.msk [tilespmem:v32+s3+$0x0], $0xffff;
	[tilespmem:s31+$0x0] =	vst v17  }
0x129: {  	[tilespmem:s31+$0x10] =	vst v18  }
0x12a: {  	[tilespmem:s31+$0x20] =	vst v19  }
0x12b: {  	[tilespmem:s31+$0x30] =	vst v20  }
0x12c: {  	[tilespmem:s31+$0x40] =	vst v21  }
0x12d: {  	[tilespmem:s31+$0x50] =	vst v22  }
0x12e: {  	[tilespmem:s31+$0x60] =	vst v23  }
0x12f: {  	[tilespmem:s31+$0x70] =	vst v24  }
0x130: {  	[tilespmem:s31+$0x400] =	vst v25  }
0x131: {  	[tilespmem:s31+$0x410] =	vst v26  }
0x132: {  	[tilespmem:s31+$0x420] =	vst v27  }
0x133: {  	v51 =	vadd.s32 s29, v15;
	[tilespmem:s31+$0x430] =	vst v28  }
0x134: {  	v52 =	vadd.s32 s29, v16;
	[tilespmem:s31+$0x440] =	vst v29  }
0x135: {  	v53 =	vadd.s32 s29, v11;
	[tilespmem:s31+$0x450] =	vst v30  }
0x136: {  	v54 =	vadd.s32 s29, v10;
	[tilespmem:s31+$0x460] =	vst v31  }
0x137: {  	v55 =	vadd.s32 s29, v9;
	[tilespmem:s31+$0x470] =	vst v32  }
0x138: {  	v56 =	vadd.s32 s29, v8;
	v20 =	vld.idx.msk [tilespmem:v51+s3+$0x0], $0xffff  }
0x139: {  	v57 =	vadd.s32 s29, v7;
	v21 =	vld.idx.msk [tilespmem:v52+s3+$0x0], $0xffff  }
0x13a: {  	v58 =	vadd.s32 s29, v6;
	v22 =	vld.idx.msk [tilespmem:v53+s3+$0x0], $0xffff  }
0x13b: {  	v59 =	vadd.s32 s29, v5;
	v23 =	vld.idx.msk [tilespmem:v54+s3+$0x0], $0xffff  }
0x13c: {  	v60 =	vadd.s32 s29, v3;
	v24 =	vld.idx.msk [tilespmem:v55+s3+$0x0], $0xffff  }
0x13d: {  	v61 =	vadd.s32 s29, v2;
	v25 =	vld.idx.msk [tilespmem:v56+s3+$0x0], $0xffff  }
0x13e: {  	v62 =	vadd.s32 s29, v1;
	v26 =	vld.idx.msk [tilespmem:v57+s3+$0x0], $0xffff  }
0x13f: {  	v63 =	vadd.s32 s29, v4;
	v27 =	vld.idx.msk [tilespmem:v58+s3+$0x0], $0xffff  }
0x140: {  	v17 =	vadd.s32 s29, v12;
	v28 =	vld.idx.msk [tilespmem:v59+s3+$0x0], $0xffff  }
0x141: {  	v18 =	vadd.s32 s29, v13;
	v29 =	vld.idx.msk [tilespmem:v60+s3+$0x0], $0xffff  }
0x142: {  	v19 =	vadd.s32 s29, v14;
	v30 =	vld.idx.msk [tilespmem:v61+s3+$0x0], $0xffff  }
0x143: {  	v31 =	vld.idx.msk [tilespmem:v62+s3+$0x0], $0xffff  }
0x144: {  	v32 =	vld.idx.msk [tilespmem:v63+s3+$0x0], $0xffff  }
0x145: {  	s31 =	sand.u32 $0x380, s28;
	v17 =	vld.idx.msk [tilespmem:v17+s3+$0x0], $0xffff  }
0x146: {  	s30 =	sor.u32 s31, s30;
	v18 =	vld.idx.msk [tilespmem:v18+s3+$0x0], $0xffff  }
0x147: {  	v19 =	vld.idx.msk [tilespmem:v19+s3+$0x0], $0xffff;
	[tilespmem:s30+$0x30] =	vst v20  }
0x148: {  	[tilespmem:s30+$0x40] =	vst v21  }
0x149: {  	[tilespmem:s30+$0x50] =	vst v22  }
0x14a: {  	[tilespmem:s30+$0x60] =	vst v23  }
0x14b: {  	[tilespmem:s30+$0x70] =	vst v24  }
0x14c: {  	[tilespmem:s30+$0x400] =	vst v25  }
0x14d: {  	[tilespmem:s30+$0x410] =	vst v26  }
0x14e: {  	[tilespmem:s30+$0x420] =	vst v27  }
0x14f: {  	[tilespmem:s30+$0x430] =	vst v28  }
0x150: {  	s26 =	sadd.s32 $0x2, s26;
	[tilespmem:s30+$0x440] =	vst v29  }
0x151: {  	p0 =	slt.u32 s26, $0x54;
	[tilespmem:s30+$0x450] =	vst v30  }
.Ltmp2:
0x152: {  	[tilespmem:s30+$0x460] =	vst v31;
	(pc) =	sbr.rel @p0 .LBB2_7-.Ltmp2, $4  }
0x153: {  	[tilespmem:s30+$0x470] =	vst v32  }
0x154: {  	[tilespmem:s30+$0x0] =	vst v17  }
0x155: {  	[tilespmem:s30+$0x10] =	vst v18  }
0x156: {  	s25 =	sadd.s32 $0x200, s25;
	s28 =	sadd.s32 $0x100, s28;
	s29 =	sadd.s32 $0xB0, s29;
	[tilespmem:s30+$0x20] =	vst v19  }
0x157: {  	v12 =	vadd.s32 $0x1D90, v12  }
0x158: {  	v13 =	vadd.s32 $0x1D90, v13  }
0x159: {  	v14 =	vadd.s32 $0x1D90, v14  }
0x15a: {  	v15 =	vadd.s32 $0x1D90, v15  }
0x15b: {  	v16 =	vadd.s32 $0x1D90, v16  }
0x15c: {  	v11 =	vadd.s32 $0x1D90, v11;
	v12 =	vld.idx.msk [tilespmem:v12+s3+$0x0], $0xffff  }
0x15d: {  	v10 =	vadd.s32 $0x1D90, v10;
	v13 =	vld.idx.msk [tilespmem:v13+s3+$0x0], $0xffff  }
0x15e: {  	v9 =	vadd.s32 $0x1D90, v9;
	v14 =	vld.idx.msk [tilespmem:v14+s3+$0x0], $0xffff  }
0x15f: {  	v8 =	vadd.s32 $0x1D90, v8;
	v15 =	vld.idx.msk [tilespmem:v15+s3+$0x0], $0xffff  }
0x160: {  	v7 =	vadd.s32 $0x1D90, v7;
	v16 =	vld.idx.msk [tilespmem:v16+s3+$0x0], $0xffff  }
0x161: {  	v6 =	vadd.s32 $0x1D90, v6;
	v11 =	vld.idx.msk [tilespmem:v11+s3+$0x0], $0xffff  }
0x162: {  	v5 =	vadd.s32 $0x1D90, v5;
	v10 =	vld.idx.msk [tilespmem:v10+s3+$0x0], $0xffff  }
0x163: {  	v3 =	vadd.s32 $0x1D90, v3;
	v9 =	vld.idx.msk [tilespmem:v9+s3+$0x0], $0xffff  }
0x164: {  	v2 =	vadd.s32 $0x1D90, v2;
	v8 =	vld.idx.msk [tilespmem:v8+s3+$0x0], $0xffff  }
0x165: {  	v1 =	vadd.s32 $0x1D90, v1;
	v7 =	vld.idx.msk [tilespmem:v7+s3+$0x0], $0xffff  }
0x166: {  	v4 =	vadd.s32 $0x1D90, v4;
	v6 =	vld.idx.msk [tilespmem:v6+s3+$0x0], $0xffff  }
0x167: {  	v5 =	vld.idx.msk [tilespmem:v5+s3+$0x0], $0xffff  }
0x168: {  	v3 =	vld.idx.msk [tilespmem:v3+s3+$0x0], $0xffff  }
0x169: {  	v2 =	vld.idx.msk [tilespmem:v2+s3+$0x0], $0xffff  }
0x16a: {  	v1 =	vld.idx.msk [tilespmem:v1+s3+$0x0], $0xffff  }
0x16b: {  	v4 =	vld.idx.msk [tilespmem:v4+s3+$0x0], $0xffff;
	[tilespmem:$0xCB00] =	vst v12  }
0x16c: {  	[tilespmem:$0xCB10] =	vst v13  }
0x16d: {  	[tilespmem:$0xCB20] =	vst v14  }
0x16e: {  	[tilespmem:$0xCB30] =	vst v15  }
0x16f: {  	[tilespmem:$0xCB40] =	vst v16  }
0x170: {  	[tilespmem:$0xCB50] =	vst v11  }
0x171: {  	[tilespmem:$0xCB60] =	vst v10  }
0x172: {  	[tilespmem:$0xCB70] =	vst v9  }
0x173: {  	[tilespmem:$0xCF00] =	vst v8  }
0x174: {  	[tilespmem:$0xCF10] =	vst v7  }
0x175: {  	[tilespmem:$0xCF20] =	vst v6  }
0x176: {  	[tilespmem:$0xCF30] =	vst v5  }
0x177: {  	s23 =	sadd.s32 $0x1, s23;
	[tilespmem:$0xCF40] =	vst v3  }
0x178: {  	p0 =	sne.s32 s23, $0x10;
	[tilespmem:$0xCF50] =	vst v2  }
.Ltmp3:
0x179: {  	[tilespmem:$0xCF60] =	vst v1;
	(pc) =	sbr.rel @p0 .LBB2_4-.Ltmp3, $4  }
0x17a: {  	s25 =	sadd.s32 s2, s24;
	[tilespmem:$0xCF70] =	vst v4  }
0x17b: {  	[hbm4b:s25+s11] =	stream.strided.scatter [tilespmem:s16], [sflag:$0x2], $0x5800, s12, s11, $0x38;
	[tilespmem:$0x1E800] =	vst v63  }
0x17c: {  	s31 =	sadd.s32 s24, s7  }
0x17d: {  	[hbm4b:s31+s11] =	stream.strided.scatter [tilespmem:s14], [sflag:$0x4], $0x11800, s12, s11, $0x38;
	[tilespmem:$0x1E800] =	vst v63  }
0x17e: {  	_ =	swait.ge [sflag:s17], $0x5800  }
0x17f: {  	[sflag:s17] =	ssyncset.done $0x0  }
0x180: {  	[sflag:s17] =	ssyncadd.s32 $0xFFFFA800  }
0x181: {  	_ =	swait.ge [sflag:s18], $0x11800  }
0x182: {  	[sflag:s18] =	ssyncset.done $0x0  }
0x183: {  	s21 =	sadd.s32 $0x1, s21;
	[sflag:s18] =	ssyncadd.s32 $0xFFFEE800  }
0x184: {  	p0 =	sne.s32 s21, s8;
	_ =	swait.ge [sflag:s19], $0x5800  }
.Ltmp4:
0x185: {  	[sflag:s19] =	ssyncset.done $0x0;
	(pc) =	sbr.rel @p0 .LBB2_1-.Ltmp4, $4  }
0x186: {  	[sflag:s19] =	ssyncadd.s32 $0xFFFFA800  }
0x187: {  	_ =	swait.ge [sflag:s20], $0x11800  }
0x188: {  	[sflag:s20] =	ssyncset.done $0x0  }
0x189: {  	[sflag:s20] =	ssyncadd.s32 $0xFFFEE800  }
0x18a: {  	_ =	sfence.sel $0x180000  }
0x18b: {  	[bflag:$0x0] =	sbarrier.arrive $0xFFFF  }
0x18c: {  	p0 =	sne.s32 s4, $0x0;
	_ =	strace $0x90000047  }
0x18d: {  	s0 =	sadd.s32 @!p0 $0x100000, s0;
	[bflag:$0x2] =	sbarrier.arrive $0xFFFF  }
0x18e: {  	[sflag:s0] =	ssyncadd.tile.s32 @!p0 $0x1;
	_ =	shalt  }
.Lfunc_end2:
_tile_overlayer_lowered:
.L_overlay_start_2:
0x18f: {  	(tag) =	ssettag $0x2  }
0x190: {  	s0 =	rddreg [dreg:$0x0];
	s2 =	stileid.u32  }
0x191: {  	s1 =	rddreg [dreg:$0x1];
	p0 =	sne.s32 s2, $0x0  }
0x192: {  	s3 =	rddreg [dreg:$0x2];
	[bflag:$0x3] =	sbarrier.arrive $0xFFFF;
	s2 =	simm.s32 @!p0 $0x1C05  }
0x193: {  	[timem:s3], [sflag:s2] =	dma.local @!p0 [hbm:s0], s1  }
0x194: {  	s0 =	simm.s32 @!p0 $0x5  }
0x195: {  	_ =	swait.ge @!p0 [sflag:s0], s1  }
0x196: {  	s1 =	ssub.s32 @!p0 $0x0, s1;
	[sflag:s0] =	ssyncset.done @!p0 $0x0  }
0x197: {  	[sflag:s0] =	ssyncadd.s32 @!p0 s1  }
0x198: {  	[bflag:$0x3] =	sbarrier.arrive $0xFFFF  }
0x199: {  	_ =	shalt  }

</sc_bundles>
